<compile_context>
chip_gen: v7x
topology: tpu7x:2x2x1
jax: 0.10.2.dev20260603
libtpu: 0.0.44.dev20260713+nightly
codegen_flags: <defaults>
</compile_context>

<pallas_src>
import functools

import jax
import jax.numpy as jnp
from jax import lax
from jax.experimental import pallas as pl
from jax.experimental.pallas import tpu as pltpu
from jax.experimental.pallas import tpu_sc as plsc

H = 64
HP = H // 2
C = 128
L = 16
NC = 2
NS = 16
NW = NC * NS
N_REL = 100
NV_PAD = 50048


@functools.partial(jax.jit, static_argnames=("npw",))
def _sc_score(emb, wrel, idx_all, npw):
    n_chunks = idx_all.shape[0]
    np_total = n_chunks * C
    mesh = plsc.VectorSubcoreMesh(core_axis_name="c", subcore_axis_name="s")

    @functools.partial(
        pl.kernel,
        mesh=mesh,
        compiler_params=pltpu.CompilerParams(
            needs_layout_passes=False, use_tc_tiling_on_sc=False),
        out_type=jax.ShapeDtypeStruct((np_total,), jnp.float32),
        scratch_types=[
            pltpu.VMEM_SHARED((NV_PAD, HP), jnp.int32),
            pltpu.VMEM((N_REL, HP), jnp.int32),
            pltpu.VMEM((2, 3, C), jnp.int32),
            pltpu.VMEM((2, C, HP), jnp.int32),
            pltpu.VMEM((2, C, HP), jnp.int32),
            pltpu.VMEM((2, C), jnp.float32),
            pltpu.SemaphoreType.DMA,
            pltpu.SemaphoreType.DMA,
            pltpu.SemaphoreType.DMA,
            pltpu.SemaphoreType.DMA,
            pltpu.SemaphoreType.DMA,
            pltpu.SemaphoreType.DMA,
        ],
    )
    def k(emb_h, wrel_h, idx_h, out_h,
          shared_v, wrel_v, idx_v, s_v, o_v, out_v,
          semi0, semi1, semr0, semr1, semo0, semo1):
        wid = lax.axis_index("s") * NC + lax.axis_index("c")
        base_chunk = wid * npw
        semi = (semi0, semi1)
        semr = (semr0, semr1)
        semo = (semo0, semo1)

        pltpu.sync_copy(wrel_h, wrel_v)

        rpt = NV_PAD // NS
        sid = lax.axis_index("s")
        pltpu.sync_copy(emb_h.at[pl.ds(sid * rpt, rpt)],
                        shared_v.at[pl.ds(sid * rpt, rpt)])
        plsc.subcore_barrier()

        def issue_idx(t, b):
            pltpu.async_copy(idx_h.at[base_chunk + t], idx_v.at[b], semi[b])

        def wait_idx(b):
            pltpu.make_async_copy(idx_h.at[0], idx_v.at[b], semi[b]).wait()

        def issue_rows(b):
            pltpu.async_copy(shared_v.at[idx_v.at[b, 0]], s_v.at[b], semr[b])
            pltpu.async_copy(shared_v.at[idx_v.at[b, 2]], o_v.at[b], semr[b])

        def wait_rows(b):
            pltpu.make_async_copy(shared_v.at[idx_v.at[b, 0]], s_v.at[b],
                                  semr[b]).wait()
            pltpu.make_async_copy(shared_v.at[idx_v.at[b, 2]], o_v.at[b],
                                  semr[b]).wait()

        def store_out(t, b):
            off = (base_chunk + t) * C
            pltpu.async_copy(out_v.at[b], out_h.at[pl.ds(off, C)], semo[b])

        def wait_out(t, b):
            off = (base_chunk + t) * C
            pltpu.make_async_copy(out_v.at[b], out_h.at[pl.ds(off, C)],
                                  semo[b]).wait()

        himask = jnp.full((L,), -65536, jnp.int32)

        def unpack2(x):
            lo = plsc.bitcast(lax.shift_left(x, 16), jnp.float32)
            hi = plsc.bitcast(lax.bitwise_and(x, himask), jnp.float32)
            return lo, hi

        def compute(b):
            @plsc.parallel_loop(0, C // L, 1, unroll=2)
            def iblk(i0):
                rows = i0 * L + lax.iota(jnp.int32, L)
                relv = idx_v[b, 1, pl.ds(i0 * L, L)]
                lane = lax.iota(jnp.int32, L)
                zero = jnp.zeros((L,), jnp.float32)

                def dgrp(g, accs):
                    accs = list(accs)
                    for dd in range(8):
                        d = g * 8 + dd
                        cols = (lane + d) & (HP - 1)
                        sp = plsc.load_gather(s_v.at[b], [rows, cols])
                        op_ = plsc.load_gather(o_v.at[b], [rows, cols])
                        rp = plsc.load_gather(wrel_v, [relv, cols])
                        qb = (plsc.bitcast(sp, jnp.bfloat16) *
                              plsc.bitcast(op_, jnp.bfloat16) *
                              plsc.bitcast(rp, jnp.bfloat16))
                        qlo, qhi = unpack2(plsc.bitcast(qb, jnp.int32))
                        j = dd % 2
                        accs[j] = accs[j] + qlo
                        accs[2 + j] = accs[2 + j] + qhi
                    return tuple(accs)

                accs = lax.fori_loop(0, HP // 8, dgrp,
                                     (zero, zero, zero, zero))
                out_v[b, pl.ds(i0 * L, L)] = (
                    (accs[0] + accs[1]) + (accs[2] + accs[3]))

        issue_idx(0, 0)
        issue_idx(1, 1)
        wait_idx(0)
        issue_rows(0)

        def step(t, b):
            wait_rows(b)

            @pl.when(t + 1 < npw)
            def _():
                wait_idx(1 - b)
                issue_rows(1 - b)

            @pl.when(t >= 2)
            def _():
                wait_out(t - 2, b)

            compute(b)
            @pl.when(t + 2 < npw)
            def _():
                issue_idx(t + 2, b)

            store_out(t, b)

        def outer(g, _):
            step(g * 2, 0)
            step(g * 2 + 1, 1)
            return _

        lax.fori_loop(0, npw // 2, outer, None)
        wait_out(npw - 2, 0)
        wait_out(npw - 1, 1)

    return k(emb, wrel, idx_all)


def _pack_bf16(table):
    b = table.astype(jnp.bfloat16).reshape(table.shape[0], HP, 2)
    return lax.bitcast_convert_type(b, jnp.int32)


def kernel(embedding, w_relation, triplets):
    n = triplets.shape[0]
    n_chunks = -(-n // C)
    npw = -(-n_chunks // NW)
    n_chunks = NW * npw
    np_total = n_chunks * C
    trip = jnp.pad(triplets.astype(jnp.int32), ((0, np_total - n), (0, 0)))
    idx_all = trip.reshape(n_chunks, C, 3).transpose(0, 2, 1)
    emb_p = jnp.pad(_pack_bf16(embedding),
                    ((0, NV_PAD - embedding.shape[0]), (0, 0)))
    out = _sc_score(emb_p, _pack_bf16(w_relation), idx_all, npw)
    return out[:n]

# --- scband reference (transcript-rebuilt; emitter-appended) ---
"""Pipeline reference for scband-link-predict-63754494542560 (READ-ONLY COPY).

The authoritative reference and input builder live on the scoring server;
editing this copy changes nothing except your own understanding.
"""

import jax, jax.numpy as jnp
import numpy as np

N_NODES = 50000
N_RELS = 100
H_DIM = 64
N_TRIPLETS = 800000


def setup_inputs(seed: int = 0) -> dict:
    key = jax.random.key(seed)
    k1, k2, k3, k4, k5 = jax.random.split(key, 5)
    # learned parameters (xavier-uniform style scale)
    emb_scale = float(np.sqrt(6.0 / (N_NODES + H_DIM))) * float(np.sqrt(2.0))
    rel_scale = float(np.sqrt(6.0 / (N_RELS + H_DIM))) * float(np.sqrt(2.0))
    embedding = jax.random.uniform(k1, (N_NODES, H_DIM), dtype=jnp.float32, minval=-emb_scale, maxval=emb_scale)
    w_relation = jax.random.uniform(k2, (N_RELS, H_DIM), dtype=jnp.float32, minval=-rel_scale, maxval=rel_scale)
    # triplets: (src, rel, dst)
    src = jax.random.randint(k3, (N_TRIPLETS,), 0, N_NODES, dtype=jnp.int64 if jax.config.jax_enable_x64 else jnp.int32)
    rel = jax.random.randint(k4, (N_TRIPLETS,), 0, N_RELS, dtype=src.dtype)
    dst = jax.random.randint(k5, (N_TRIPLETS,), 0, N_NODES, dtype=src.dtype)
    triplets = jnp.stack([src, rel, dst], axis=1)
    return {"embedding": embedding, "w_relation": w_relation, "triplets": triplets}


def reference(embedding, w_relation, triplets):
    # LinkPredict.calc_score: DistMult scoring over gathered embeddings
    s = jnp.take(embedding, triplets[:, 0], axis=0)
    r = jnp.take(w_relation, triplets[:, 1], axis=0)
    o = jnp.take(embedding, triplets[:, 2], axis=0)
    score = jnp.sum(s * r * o, axis=1)
    return score

if __name__ == "__main__":
    import jax
    _d = setup_inputs()
    print(jax.jit(kernel)(*tuple(_d.values())))

</pallas_src>

<mosaic_0001>
#map = affine_map<(d0, d1) -> (0, 0)>
#map1 = affine_map<(d0, d1) -> (0, 0, 0)>
#map2 = affine_map<(d0, d1) -> (0)>
module attributes {stable_mosaic.version = 14 : i64} {
  func.func @k(%arg0: i32, %arg1: i32, %arg2: memref<50048x32xi32, #tpu.memory_space<hbm>>, %arg3: memref<100x32xi32, #tpu.memory_space<hbm>>, %arg4: memref<6272x3x128xi32, #tpu.memory_space<hbm>>, %arg5: memref<802816xf32, #tpu.memory_space<hbm>>, %arg6: memref<50048x32xi32, #tpu.memory_space<vmem_shared>>, %arg7: memref<100x32xi32, #tpu.memory_space<vmem>>, %arg8: memref<2x3x128xi32, #tpu.memory_space<vmem>>, %arg9: memref<2x128x32xi32, #tpu.memory_space<vmem>>, %arg10: memref<2x128x32xi32, #tpu.memory_space<vmem>>, %arg11: memref<2x128xf32, #tpu.memory_space<vmem>>, %arg12: memref<!tpu.dma_semaphore, #tpu.memory_space<semaphore_mem>>, %arg13: memref<!tpu.dma_semaphore, #tpu.memory_space<semaphore_mem>>, %arg14: memref<!tpu.dma_semaphore, #tpu.memory_space<semaphore_mem>>, %arg15: memref<!tpu.dma_semaphore, #tpu.memory_space<semaphore_mem>>, %arg16: memref<!tpu.dma_semaphore, #tpu.memory_space<semaphore_mem>>, %arg17: memref<!tpu.dma_semaphore, #tpu.memory_space<semaphore_mem>>) attributes {dimension_semantics = [#tpu.dimension_semantics<core_parallel>, #tpu.dimension_semantics<subcore_parallel>], iteration_bounds = array<i64: 2, 16>, scalar_prefetch = 0 : i64, scratch_operands = 12 : i64, tpu.core_type = #tpu.core_type<sc_vector_subcore>, window_params = [{transform_indices = #map}, {transform_indices = #map}, {transform_indices = #map1}, {transform_indices = #map2}]} {
    %mul3A = arith.constant 2 : i32
    %mul3A_0 = arith.muli %arg1, %mul3A : i32
    %add3A = arith.addi %mul3A_0, %arg0 : i32
    %mul3A_1 = arith.constant 196 : i32
    %mul3A_2 = arith.muli %add3A, %mul3A_1 : i32
    "tpu.region"() ({
      %run_scoped3A = tpu.sem_alloc : memref<!tpu.dma_semaphore, #tpu.memory_space<semaphore_mem>>
      tpu.enqueue_dma source(%arg3 : memref<100x32xi32, #tpu.memory_space<hbm>>) target(%arg7 : memref<100x32xi32, #tpu.memory_space<vmem>>) target_semaphore(%run_scoped3A : memref<!tpu.dma_semaphore, #tpu.memory_space<semaphore_mem>>)
      tpu.wait_dma2 semaphore(%run_scoped3A : memref<!tpu.dma_semaphore, #tpu.memory_space<semaphore_mem>>) src(%arg3 : memref<100x32xi32, #tpu.memory_space<hbm>>) dst(%arg7 : memref<100x32xi32, #tpu.memory_space<vmem>>)
      tpu.yield
    }) : () -> ()
    %mul3A_3 = arith.constant 3128 : i32
    %mul3A_4 = arith.muli %arg1, %mul3A_3 : i32
    %mul3A_5 = arith.constant 3128 : i32
    %mul3A_6 = arith.muli %arg1, %mul3A_5 : i32
    "tpu.region"() ({
      %run_scoped3A = tpu.sem_alloc : memref<!tpu.dma_semaphore, #tpu.memory_space<semaphore_mem>>
      %dma_start3A_118 = arith.constant 0 : i32
      %dma_start3A_119 = tpu.memref_slice %arg6[%mul3A_6, %dma_start3A_118] : memref<50048x32xi32, #tpu.memory_space<vmem_shared>> -> memref<3128x32xi32, #tpu.memory_space<vmem_shared>>
      %dma_start3A_120 = arith.constant 0 : i32
      %dma_start3A_121 = tpu.memref_slice %arg2[%mul3A_4, %dma_start3A_120] : memref<50048x32xi32, #tpu.memory_space<hbm>> -> memref<3128x32xi32, #tpu.memory_space<hbm>>
      tpu.enqueue_dma source(%dma_start3A_121 : memref<3128x32xi32, #tpu.memory_space<hbm>>) target(%dma_start3A_119 : memref<3128x32xi32, #tpu.memory_space<vmem_shared>>) target_semaphore(%run_scoped3A : memref<!tpu.dma_semaphore, #tpu.memory_space<semaphore_mem>>)
      %dma_wait3A_122 = arith.constant 0 : i32
      %dma_wait3A_123 = tpu.memref_slice %arg6[%mul3A_6, %dma_wait3A_122] : memref<50048x32xi32, #tpu.memory_space<vmem_shared>> -> memref<3128x32xi32, #tpu.memory_space<vmem_shared>>
      %dma_wait3A_124 = arith.constant 0 : i32
      %dma_wait3A_125 = tpu.memref_slice %arg2[%mul3A_4, %dma_wait3A_124] : memref<50048x32xi32, #tpu.memory_space<hbm>> -> memref<3128x32xi32, #tpu.memory_space<hbm>>
      tpu.wait_dma2 semaphore(%run_scoped3A : memref<!tpu.dma_semaphore, #tpu.memory_space<semaphore_mem>>) src(%dma_wait3A_125 : memref<3128x32xi32, #tpu.memory_space<hbm>>) dst(%dma_wait3A_123 : memref<3128x32xi32, #tpu.memory_space<vmem_shared>>)
      tpu.yield
    }) : () -> ()
    %barrier3A = arith.constant 0 : index
    tpu.barrier barrier_id(%barrier3A)
    %broadcast_in_dim3A = arith.constant -65536 : i32
    %broadcast_in_dim3A_7 = vector.broadcast %broadcast_in_dim3A : i32 to vector<16xi32>
    %add3A_8 = arith.constant 0 : i32
    %add3A_9 = arith.addi %mul3A_2, %add3A_8 : i32
    %dma_start3A = arith.constant 0 : i32
    %dma_start3A_10 = arith.constant 0 : i32
    %dma_start3A_11 = arith.constant 0 : i32
    %dma_start3A_12 = tpu.memref_slice %arg8[%dma_start3A, %dma_start3A_10, %dma_start3A_11] : memref<2x3x128xi32, #tpu.memory_space<vmem>> -> memref<1x3x128xi32, #tpu.memory_space<vmem>>
    %dma_start3A_13 = tpu.memref_squeeze %dma_start3A_12 : memref<1x3x128xi32, #tpu.memory_space<vmem>> -> memref<3x128xi32, #tpu.memory_space<vmem>>
    %dma_start3A_14 = arith.constant 0 : i32
    %dma_start3A_15 = arith.constant 0 : i32
    %dma_start3A_16 = tpu.memref_slice %arg4[%add3A_9, %dma_start3A_14, %dma_start3A_15] : memref<6272x3x128xi32, #tpu.memory_space<hbm>> -> memref<1x3x128xi32, #tpu.memory_space<hbm>>
    %dma_start3A_17 = tpu.memref_squeeze %dma_start3A_16 : memref<1x3x128xi32, #tpu.memory_space<hbm>> -> memref<3x128xi32, #tpu.memory_space<hbm>>
    %dma_start3A_18 = arith.constant 0 : i32
    %dma_start3A_19 = arith.constant 0 : i32
    %dma_start3A_20 = tpu.memref_slice %arg8[%dma_start3A, %dma_start3A_18, %dma_start3A_19] : memref<2x3x128xi32, #tpu.memory_space<vmem>> -> memref<1x3x128xi32, #tpu.memory_space<vmem>>
    %dma_start3A_21 = tpu.memref_squeeze %dma_start3A_20 : memref<1x3x128xi32, #tpu.memory_space<vmem>> -> memref<3x128xi32, #tpu.memory_space<vmem>>
    %dma_start3A_22 = arith.constant 0 : i32
    %dma_start3A_23 = arith.constant 0 : i32
    %dma_start3A_24 = tpu.memref_slice %arg4[%add3A_9, %dma_start3A_22, %dma_start3A_23] : memref<6272x3x128xi32, #tpu.memory_space<hbm>> -> memref<1x3x128xi32, #tpu.memory_space<hbm>>
    %dma_start3A_25 = tpu.memref_squeeze %dma_start3A_24 : memref<1x3x128xi32, #tpu.memory_space<hbm>> -> memref<3x128xi32, #tpu.memory_space<hbm>>
    tpu.enqueue_dma source(%dma_start3A_25 : memref<3x128xi32, #tpu.memory_space<hbm>>) target(%dma_start3A_21 : memref<3x128xi32, #tpu.memory_space<vmem>>) target_semaphore(%arg12 : memref<!tpu.dma_semaphore, #tpu.memory_space<semaphore_mem>>)
    %add3A_26 = arith.constant 1 : i32
    %add3A_27 = arith.addi %mul3A_2, %add3A_26 : i32
    %dma_start3A_28 = arith.constant 1 : i32
    %dma_start3A_29 = arith.constant 0 : i32
    %dma_start3A_30 = arith.constant 0 : i32
    %dma_start3A_31 = tpu.memref_slice %arg8[%dma_start3A_28, %dma_start3A_29, %dma_start3A_30] : memref<2x3x128xi32, #tpu.memory_space<vmem>> -> memref<1x3x128xi32, #tpu.memory_space<vmem>>
    %dma_start3A_32 = tpu.memref_squeeze %dma_start3A_31 : memref<1x3x128xi32, #tpu.memory_space<vmem>> -> memref<3x128xi32, #tpu.memory_space<vmem>>
    %dma_start3A_33 = arith.constant 0 : i32
    %dma_start3A_34 = arith.constant 0 : i32
    %dma_start3A_35 = tpu.memref_slice %arg4[%add3A_27, %dma_start3A_33, %dma_start3A_34] : memref<6272x3x128xi32, #tpu.memory_space<hbm>> -> memref<1x3x128xi32, #tpu.memory_space<hbm>>
    %dma_start3A_36 = tpu.memref_squeeze %dma_start3A_35 : memref<1x3x128xi32, #tpu.memory_space<hbm>> -> memref<3x128xi32, #tpu.memory_space<hbm>>
    %dma_start3A_37 = arith.constant 0 : i32
    %dma_start3A_38 = arith.constant 0 : i32
    %dma_start3A_39 = tpu.memref_slice %arg8[%dma_start3A_28, %dma_start3A_37, %dma_start3A_38] : memref<2x3x128xi32, #tpu.memory_space<vmem>> -> memref<1x3x128xi32, #tpu.memory_space<vmem>>
    %dma_start3A_40 = tpu.memref_squeeze %dma_start3A_39 : memref<1x3x128xi32, #tpu.memory_space<vmem>> -> memref<3x128xi32, #tpu.memory_space<vmem>>
    %dma_start3A_41 = arith.constant 0 : i32
    %dma_start3A_42 = arith.constant 0 : i32
    %dma_start3A_43 = tpu.memref_slice %arg4[%add3A_27, %dma_start3A_41, %dma_start3A_42] : memref<6272x3x128xi32, #tpu.memory_space<hbm>> -> memref<1x3x128xi32, #tpu.memory_space<hbm>>
    %dma_start3A_44 = tpu.memref_squeeze %dma_start3A_43 : memref<1x3x128xi32, #tpu.memory_space<hbm>> -> memref<3x128xi32, #tpu.memory_space<hbm>>
    tpu.enqueue_dma source(%dma_start3A_44 : memref<3x128xi32, #tpu.memory_space<hbm>>) target(%dma_start3A_40 : memref<3x128xi32, #tpu.memory_space<vmem>>) target_semaphore(%arg13 : memref<!tpu.dma_semaphore, #tpu.memory_space<semaphore_mem>>)
    %dma_wait3A = arith.constant 0 : i32
    %dma_wait3A_45 = arith.constant 0 : i32
    %dma_wait3A_46 = arith.constant 0 : i32
    %dma_wait3A_47 = arith.constant 0 : i32
    %dma_wait3A_48 = tpu.memref_slice %arg8[%dma_wait3A_45, %dma_wait3A_46, %dma_wait3A_47] : memref<2x3x128xi32, #tpu.memory_space<vmem>> -> memref<1x3x128xi32, #tpu.memory_space<vmem>>
    %dma_wait3A_49 = tpu.memref_squeeze %dma_wait3A_48 : memref<1x3x128xi32, #tpu.memory_space<vmem>> -> memref<3x128xi32, #tpu.memory_space<vmem>>
    %dma_wait3A_50 = arith.constant 0 : i32
    %dma_wait3A_51 = arith.constant 0 : i32
    %dma_wait3A_52 = tpu.memref_slice %arg4[%dma_wait3A, %dma_wait3A_50, %dma_wait3A_51] : memref<6272x3x128xi32, #tpu.memory_space<hbm>> -> memref<1x3x128xi32, #tpu.memory_space<hbm>>
    %dma_wait3A_53 = tpu.memref_squeeze %dma_wait3A_52 : memref<1x3x128xi32, #tpu.memory_space<hbm>> -> memref<3x128xi32, #tpu.memory_space<hbm>>
    %dma_wait3A_54 = arith.constant 0 : i32
    %dma_wait3A_55 = arith.constant 0 : i32
    %dma_wait3A_56 = tpu.memref_slice %arg8[%dma_wait3A_45, %dma_wait3A_54, %dma_wait3A_55] : memref<2x3x128xi32, #tpu.memory_space<vmem>> -> memref<1x3x128xi32, #tpu.memory_space<vmem>>
    %dma_wait3A_57 = tpu.memref_squeeze %dma_wait3A_56 : memref<1x3x128xi32, #tpu.memory_space<vmem>> -> memref<3x128xi32, #tpu.memory_space<vmem>>
    %dma_wait3A_58 = arith.constant 0 : i32
    %dma_wait3A_59 = arith.constant 0 : i32
    %dma_wait3A_60 = tpu.memref_slice %arg4[%dma_wait3A, %dma_wait3A_58, %dma_wait3A_59] : memref<6272x3x128xi32, #tpu.memory_space<hbm>> -> memref<1x3x128xi32, #tpu.memory_space<hbm>>
    %dma_wait3A_61 = tpu.memref_squeeze %dma_wait3A_60 : memref<1x3x128xi32, #tpu.memory_space<hbm>> -> memref<3x128xi32, #tpu.memory_space<hbm>>
    tpu.wait_dma2 semaphore(%arg12 : memref<!tpu.dma_semaphore, #tpu.memory_space<semaphore_mem>>) src(%dma_wait3A_61 : memref<3x128xi32, #tpu.memory_space<hbm>>) dst(%dma_wait3A_57 : memref<3x128xi32, #tpu.memory_space<vmem>>)
    %dma_start3A_62 = arith.constant 0 : i32
    %dma_start3A_63 = arith.constant 0 : i32
    %dma_start3A_64 = arith.constant 0 : i32
    %dma_start3A_65 = arith.constant 0 : i32
    %dma_start3A_66 = arith.constant 0 : i32
    %dma_start3A_67 = tpu.memref_slice %arg9[%dma_start3A_64, %dma_start3A_65, %dma_start3A_66] : memref<2x128x32xi32, #tpu.memory_space<vmem>> -> memref<1x128x32xi32, #tpu.memory_space<vmem>>
    %dma_start3A_68 = tpu.memref_squeeze %dma_start3A_67 : memref<1x128x32xi32, #tpu.memory_space<vmem>> -> memref<128x32xi32, #tpu.memory_space<vmem>>
    %dma_start3A_69 = arith.constant 0 : i32
    %dma_start3A_70 = tpu.memref_slice %arg8[%dma_start3A_62, %dma_start3A_63, %dma_start3A_69] : memref<2x3x128xi32, #tpu.memory_space<vmem>> -> memref<1x1x128xi32, #tpu.memory_space<vmem>>
    %dma_start3A_71 = tpu.memref_squeeze %dma_start3A_70 : memref<1x1x128xi32, #tpu.memory_space<vmem>> -> memref<128xi32, #tpu.memory_space<vmem>>
    %dma_start3A_72 = arith.constant 0 : i32
    %dma_start3A_73 = arith.constant 0 : i32
    %dma_start3A_74 = tpu.memref_slice %arg6[%dma_start3A_72, %dma_start3A_73] : memref<50048x32xi32, #tpu.memory_space<vmem_shared>> -> memref<50048x32xi32, #tpu.memory_space<vmem_shared>>
    tpu.enqueue_indirect_dma source(%dma_start3A_74 : memref<50048x32xi32, #tpu.memory_space<vmem_shared>>) target(%dma_start3A_68 : memref<128x32xi32, #tpu.memory_space<vmem>>) offsets(%dma_start3A_71 : memref<128xi32, #tpu.memory_space<vmem>>) semaphore(%arg14 : memref<!tpu.dma_semaphore, #tpu.memory_space<semaphore_mem>>)
    %dma_start3A_75 = arith.constant 0 : i32
    %dma_start3A_76 = arith.constant 2 : i32
    %dma_start3A_77 = arith.constant 0 : i32
    %dma_start3A_78 = arith.constant 0 : i32
    %dma_start3A_79 = arith.constant 0 : i32
    %dma_start3A_80 = tpu.memref_slice %arg10[%dma_start3A_77, %dma_start3A_78, %dma_start3A_79] : memref<2x128x32xi32, #tpu.memory_space<vmem>> -> memref<1x128x32xi32, #tpu.memory_space<vmem>>
    %dma_start3A_81 = tpu.memref_squeeze %dma_start3A_80 : memref<1x128x32xi32, #tpu.memory_space<vmem>> -> memref<128x32xi32, #tpu.memory_space<vmem>>
    %dma_start3A_82 = arith.constant 0 : i32
    %dma_start3A_83 = tpu.memref_slice %arg8[%dma_start3A_75, %dma_start3A_76, %dma_start3A_82] : memref<2x3x128xi32, #tpu.memory_space<vmem>> -> memref<1x1x128xi32, #tpu.memory_space<vmem>>
    %dma_start3A_84 = tpu.memref_squeeze %dma_start3A_83 : memref<1x1x128xi32, #tpu.memory_space<vmem>> -> memref<128xi32, #tpu.memory_space<vmem>>
    %dma_start3A_85 = arith.constant 0 : i32
    %dma_start3A_86 = arith.constant 0 : i32
    %dma_start3A_87 = tpu.memref_slice %arg6[%dma_start3A_85, %dma_start3A_86] : memref<50048x32xi32, #tpu.memory_space<vmem_shared>> -> memref<50048x32xi32, #tpu.memory_space<vmem_shared>>
    tpu.enqueue_indirect_dma source(%dma_start3A_87 : memref<50048x32xi32, #tpu.memory_space<vmem_shared>>) target(%dma_start3A_81 : memref<128x32xi32, #tpu.memory_space<vmem>>) offsets(%dma_start3A_84 : memref<128xi32, #tpu.memory_space<vmem>>) semaphore(%arg14 : memref<!tpu.dma_semaphore, #tpu.memory_space<semaphore_mem>>)
    %scan3A = arith.constant 0 : i32
    %scan3A_88 = arith.constant 98 : i32
    %scan3A_89 = arith.addi %scan3A, %scan3A_88 : i32
    %scan3A_90 = arith.constant 1 : i32
    scf.for %scan3A_118 = %scan3A to %scan3A_89 step %scan3A_90  : i32 {
      %mul3A_119 = arith.constant 2 : i32
      %mul3A_120 = arith.muli %scan3A_118, %mul3A_119 : i32
      %dma_wait3A_121 = arith.constant 0 : i32
      %dma_wait3A_122 = arith.constant 0 : i32
      %dma_wait3A_123 = arith.constant 0 : i32
      %dma_wait3A_124 = arith.constant 0 : i32
      %dma_wait3A_125 = arith.constant 0 : i32
      %dma_wait3A_126 = tpu.memref_slice %arg9[%dma_wait3A_123, %dma_wait3A_124, %dma_wait3A_125] : memref<2x128x32xi32, #tpu.memory_space<vmem>> -> memref<1x128x32xi32, #tpu.memory_space<vmem>>
      %dma_wait3A_127 = tpu.memref_squeeze %dma_wait3A_126 : memref<1x128x32xi32, #tpu.memory_space<vmem>> -> memref<128x32xi32, #tpu.memory_space<vmem>>
      %dma_wait3A_128 = arith.constant 0 : i32
      %dma_wait3A_129 = tpu.memref_slice %arg8[%dma_wait3A_121, %dma_wait3A_122, %dma_wait3A_128] : memref<2x3x128xi32, #tpu.memory_space<vmem>> -> memref<1x1x128xi32, #tpu.memory_space<vmem>>
      %dma_wait3A_130 = tpu.memref_squeeze %dma_wait3A_129 : memref<1x1x128xi32, #tpu.memory_space<vmem>> -> memref<128xi32, #tpu.memory_space<vmem>>
      %dma_wait3A_131 = arith.constant 0 : i32
      %dma_wait3A_132 = arith.constant 0 : i32
      %dma_wait3A_133 = tpu.memref_slice %arg6[%dma_wait3A_131, %dma_wait3A_132] : memref<50048x32xi32, #tpu.memory_space<vmem_shared>> -> memref<50048x32xi32, #tpu.memory_space<vmem_shared>>
      tpu.wait_indirect_dma semaphore(%arg14 : memref<!tpu.dma_semaphore, #tpu.memory_space<semaphore_mem>>) src(%dma_wait3A_133 : memref<50048x32xi32, #tpu.memory_space<vmem_shared>>) dst(%dma_wait3A_127 : memref<128x32xi32, #tpu.memory_space<vmem>>)
      %dma_wait3A_134 = arith.constant 0 : i32
      %dma_wait3A_135 = arith.constant 2 : i32
      %dma_wait3A_136 = arith.constant 0 : i32
      %dma_wait3A_137 = arith.constant 0 : i32
      %dma_wait3A_138 = arith.constant 0 : i32
      %dma_wait3A_139 = tpu.memref_slice %arg10[%dma_wait3A_136, %dma_wait3A_137, %dma_wait3A_138] : memref<2x128x32xi32, #tpu.memory_space<vmem>> -> memref<1x128x32xi32, #tpu.memory_space<vmem>>
      %dma_wait3A_140 = tpu.memref_squeeze %dma_wait3A_139 : memref<1x128x32xi32, #tpu.memory_space<vmem>> -> memref<128x32xi32, #tpu.memory_space<vmem>>
      %dma_wait3A_141 = arith.constant 0 : i32
      %dma_wait3A_142 = tpu.memref_slice %arg8[%dma_wait3A_134, %dma_wait3A_135, %dma_wait3A_141] : memref<2x3x128xi32, #tpu.memory_space<vmem>> -> memref<1x1x128xi32, #tpu.memory_space<vmem>>
      %dma_wait3A_143 = tpu.memref_squeeze %dma_wait3A_142 : memref<1x1x128xi32, #tpu.memory_space<vmem>> -> memref<128xi32, #tpu.memory_space<vmem>>
      %dma_wait3A_144 = arith.constant 0 : i32
      %dma_wait3A_145 = arith.constant 0 : i32
      %dma_wait3A_146 = tpu.memref_slice %arg6[%dma_wait3A_144, %dma_wait3A_145] : memref<50048x32xi32, #tpu.memory_space<vmem_shared>> -> memref<50048x32xi32, #tpu.memory_space<vmem_shared>>
      tpu.wait_indirect_dma semaphore(%arg14 : memref<!tpu.dma_semaphore, #tpu.memory_space<semaphore_mem>>) src(%dma_wait3A_146 : memref<50048x32xi32, #tpu.memory_space<vmem_shared>>) dst(%dma_wait3A_140 : memref<128x32xi32, #tpu.memory_space<vmem>>)
      %add3A_147 = arith.constant 1 : i32
      %add3A_148 = arith.addi %mul3A_120, %add3A_147 : i32
      %lt3A = arith.constant 196 : i32
      %lt3A_149 = arith.cmpi slt, %add3A_148, %lt3A : i32
      %convert_element_type3A = arith.extui %lt3A_149 : i1 to i32
      %cond3A = arith.constant 0 : i32
      %cond3A_150 = arith.cmpi ne, %convert_element_type3A, %cond3A : i32
      scf.if %cond3A_150 {
        %dma_wait3A_240 = arith.constant 0 : i32
        %dma_wait3A_241 = arith.constant 1 : i32
        %dma_wait3A_242 = arith.constant 0 : i32
        %dma_wait3A_243 = arith.constant 0 : i32
        %dma_wait3A_244 = tpu.memref_slice %arg8[%dma_wait3A_241, %dma_wait3A_242, %dma_wait3A_243] : memref<2x3x128xi32, #tpu.memory_space<vmem>> -> memref<1x3x128xi32, #tpu.memory_space<vmem>>
        %dma_wait3A_245 = tpu.memref_squeeze %dma_wait3A_244 : memref<1x3x128xi32, #tpu.memory_space<vmem>> -> memref<3x128xi32, #tpu.memory_space<vmem>>
        %dma_wait3A_246 = arith.constant 0 : i32
        %dma_wait3A_247 = arith.constant 0 : i32
        %dma_wait3A_248 = tpu.memref_slice %arg4[%dma_wait3A_240, %dma_wait3A_246, %dma_wait3A_247] : memref<6272x3x128xi32, #tpu.memory_space<hbm>> -> memref<1x3x128xi32, #tpu.memory_space<hbm>>
        %dma_wait3A_249 = tpu.memref_squeeze %dma_wait3A_248 : memref<1x3x128xi32, #tpu.memory_space<hbm>> -> memref<3x128xi32, #tpu.memory_space<hbm>>
        %dma_wait3A_250 = arith.constant 0 : i32
        %dma_wait3A_251 = arith.constant 0 : i32
        %dma_wait3A_252 = tpu.memref_slice %arg8[%dma_wait3A_241, %dma_wait3A_250, %dma_wait3A_251] : memref<2x3x128xi32, #tpu.memory_space<vmem>> -> memref<1x3x128xi32, #tpu.memory_space<vmem>>
        %dma_wait3A_253 = tpu.memref_squeeze %dma_wait3A_252 : memref<1x3x128xi32, #tpu.memory_space<vmem>> -> memref<3x128xi32, #tpu.memory_space<vmem>>
        %dma_wait3A_254 = arith.constant 0 : i32
        %dma_wait3A_255 = arith.constant 0 : i32
        %dma_wait3A_256 = tpu.memref_slice %arg4[%dma_wait3A_240, %dma_wait3A_254, %dma_wait3A_255] : memref<6272x3x128xi32, #tpu.memory_space<hbm>> -> memref<1x3x128xi32, #tpu.memory_space<hbm>>
        %dma_wait3A_257 = tpu.memref_squeeze %dma_wait3A_256 : memref<1x3x128xi32, #tpu.memory_space<hbm>> -> memref<3x128xi32, #tpu.memory_space<hbm>>
        tpu.wait_dma2 semaphore(%arg13 : memref<!tpu.dma_semaphore, #tpu.memory_space<semaphore_mem>>) src(%dma_wait3A_257 : memref<3x128xi32, #tpu.memory_space<hbm>>) dst(%dma_wait3A_253 : memref<3x128xi32, #tpu.memory_space<vmem>>)
        %dma_start3A_258 = arith.constant 1 : i32
        %dma_start3A_259 = arith.constant 0 : i32
        %dma_start3A_260 = arith.constant 1 : i32
        %dma_start3A_261 = arith.constant 0 : i32
        %dma_start3A_262 = arith.constant 0 : i32
        %dma_start3A_263 = tpu.memref_slice %arg9[%dma_start3A_260, %dma_start3A_261, %dma_start3A_262] : memref<2x128x32xi32, #tpu.memory_space<vmem>> -> memref<1x128x32xi32, #tpu.memory_space<vmem>>
        %dma_start3A_264 = tpu.memref_squeeze %dma_start3A_263 : memref<1x128x32xi32, #tpu.memory_space<vmem>> -> memref<128x32xi32, #tpu.memory_space<vmem>>
        %dma_start3A_265 = arith.constant 0 : i32
        %dma_start3A_266 = tpu.memref_slice %arg8[%dma_start3A_258, %dma_start3A_259, %dma_start3A_265] : memref<2x3x128xi32, #tpu.memory_space<vmem>> -> memref<1x1x128xi32, #tpu.memory_space<vmem>>
        %dma_start3A_267 = tpu.memref_squeeze %dma_start3A_266 : memref<1x1x128xi32, #tpu.memory_space<vmem>> -> memref<128xi32, #tpu.memory_space<vmem>>
        %dma_start3A_268 = arith.constant 0 : i32
        %dma_start3A_269 = arith.constant 0 : i32
        %dma_start3A_270 = tpu.memref_slice %arg6[%dma_start3A_268, %dma_start3A_269] : memref<50048x32xi32, #tpu.memory_space<vmem_shared>> -> memref<50048x32xi32, #tpu.memory_space<vmem_shared>>
        tpu.enqueue_indirect_dma source(%dma_start3A_270 : memref<50048x32xi32, #tpu.memory_space<vmem_shared>>) target(%dma_start3A_264 : memref<128x32xi32, #tpu.memory_space<vmem>>) offsets(%dma_start3A_267 : memref<128xi32, #tpu.memory_space<vmem>>) semaphore(%arg15 : memref<!tpu.dma_semaphore, #tpu.memory_space<semaphore_mem>>)
        %dma_start3A_271 = arith.constant 1 : i32
        %dma_start3A_272 = arith.constant 2 : i32
        %dma_start3A_273 = arith.constant 1 : i32
        %dma_start3A_274 = arith.constant 0 : i32
        %dma_start3A_275 = arith.constant 0 : i32
        %dma_start3A_276 = tpu.memref_slice %arg10[%dma_start3A_273, %dma_start3A_274, %dma_start3A_275] : memref<2x128x32xi32, #tpu.memory_space<vmem>> -> memref<1x128x32xi32, #tpu.memory_space<vmem>>
        %dma_start3A_277 = tpu.memref_squeeze %dma_start3A_276 : memref<1x128x32xi32, #tpu.memory_space<vmem>> -> memref<128x32xi32, #tpu.memory_space<vmem>>
        %dma_start3A_278 = arith.constant 0 : i32
        %dma_start3A_279 = tpu.memref_slice %arg8[%dma_start3A_271, %dma_start3A_272, %dma_start3A_278] : memref<2x3x128xi32, #tpu.memory_space<vmem>> -> memref<1x1x128xi32, #tpu.memory_space<vmem>>
        %dma_start3A_280 = tpu.memref_squeeze %dma_start3A_279 : memref<1x1x128xi32, #tpu.memory_space<vmem>> -> memref<128xi32, #tpu.memory_space<vmem>>
        %dma_start3A_281 = arith.constant 0 : i32
        %dma_start3A_282 = arith.constant 0 : i32
        %dma_start3A_283 = tpu.memref_slice %arg6[%dma_start3A_281, %dma_start3A_282] : memref<50048x32xi32, #tpu.memory_space<vmem_shared>> -> memref<50048x32xi32, #tpu.memory_space<vmem_shared>>
        tpu.enqueue_indirect_dma source(%dma_start3A_283 : memref<50048x32xi32, #tpu.memory_space<vmem_shared>>) target(%dma_start3A_277 : memref<128x32xi32, #tpu.memory_space<vmem>>) offsets(%dma_start3A_280 : memref<128xi32, #tpu.memory_space<vmem>>) semaphore(%arg15 : memref<!tpu.dma_semaphore, #tpu.memory_space<semaphore_mem>>)
      } else {
      }
      %ge3A = arith.constant 2 : i32
      %ge3A_151 = arith.cmpi sge, %mul3A_120, %ge3A : i32
      %convert_element_type3A_152 = arith.extui %ge3A_151 : i1 to i32
      %cond3A_153 = arith.constant 0 : i32
      %cond3A_154 = arith.cmpi ne, %convert_element_type3A_152, %cond3A_153 : i32
      scf.if %cond3A_154 {
        %sub3A = arith.constant 2 : i32
        %sub3A_240 = arith.subi %mul3A_120, %sub3A : i32
        %add3A_241 = arith.addi %mul3A_2, %sub3A_240 : i32
        %mul3A_242 = arith.constant 128 : i32
        %mul3A_243 = arith.muli %add3A_241, %mul3A_242 : i32
        %dma_wait3A_244 = arith.constant 0 : i32
        %dma_wait3A_245 = arith.constant 0 : i32
        %dma_wait3A_246 = tpu.memref_slice %arg11[%dma_wait3A_244, %dma_wait3A_245] : memref<2x128xf32, #tpu.memory_space<vmem>> -> memref<1x128xf32, #tpu.memory_space<vmem>>
        %dma_wait3A_247 = tpu.memref_squeeze %dma_wait3A_246 : memref<1x128xf32, #tpu.memory_space<vmem>> -> memref<128xf32, #tpu.memory_space<vmem>>
        %dma_wait3A_248 = tpu.memref_slice %arg5[%mul3A_243] : memref<802816xf32, #tpu.memory_space<hbm>> -> memref<128xf32, #tpu.memory_space<hbm>>
        %dma_wait3A_249 = tpu.memref_slice %arg5[%mul3A_243] : memref<802816xf32, #tpu.memory_space<hbm>> -> memref<128xf32, #tpu.memory_space<hbm>>
        %dma_wait3A_250 = arith.constant 0 : i32
        %dma_wait3A_251 = tpu.memref_slice %arg11[%dma_wait3A_244, %dma_wait3A_250] : memref<2x128xf32, #tpu.memory_space<vmem>> -> memref<1x128xf32, #tpu.memory_space<vmem>>
        %dma_wait3A_252 = tpu.memref_squeeze %dma_wait3A_251 : memref<1x128xf32, #tpu.memory_space<vmem>> -> memref<128xf32, #tpu.memory_space<vmem>>
        tpu.wait_dma2 semaphore(%arg16 : memref<!tpu.dma_semaphore, #tpu.memory_space<semaphore_mem>>) src(%dma_wait3A_252 : memref<128xf32, #tpu.memory_space<vmem>>) dst(%dma_wait3A_249 : memref<128xf32, #tpu.memory_space<hbm>>)
      } else {
      }
      %parallel_loop3A = arith.constant 0 : i32
      %parallel_loop3A_155 = arith.constant 8 : i32
      %parallel_loop3A_156 = arith.constant 1 : i32
      scf.for %parallel_loop3A_240 = %parallel_loop3A to %parallel_loop3A_155 step %parallel_loop3A_156  : i32 {
        %parallel_loop3A_241 = arith.constant 16 : i32
        %parallel_loop3A_242 = arith.muli %parallel_loop3A_240, %parallel_loop3A_241 : i32
        %parallel_loop3A_243 = tpu.iota {dimensions = array<i32: 0>} : vector<16xi32>
        %parallel_loop3A_244 = vector.broadcast %parallel_loop3A_242 : i32 to vector<16xi32>
        %parallel_loop3A_245 = arith.addi %parallel_loop3A_244, %parallel_loop3A_243 : vector<16xi32>
        %parallel_loop3A_246 = arith.constant 16 : i32
        %parallel_loop3A_247 = arith.muli %parallel_loop3A_240, %parallel_loop3A_246 : i32
        %parallel_loop3A_248 = arith.constant 0 : i32
        %parallel_loop3A_249 = arith.constant 1 : i32
        %parallel_loop3A_250 = arith.index_cast %parallel_loop3A_248 : i32 to index
        %parallel_loop3A_251 = arith.index_cast %parallel_loop3A_249 : i32 to index
        %parallel_loop3A_252 = arith.index_cast %parallel_loop3A_247 : i32 to index
        %parallel_loop3A_253 = tpu.vector_load %arg8[%parallel_loop3A_250, %parallel_loop3A_251, %parallel_loop3A_252] {strides = array<i32>} : memref<2x3x128xi32, #tpu.memory_space<vmem>>, vector<16xi32>,
        %parallel_loop3A_254 = tpu.iota {dimensions = array<i32: 0>} : vector<16xi32>
        %parallel_loop3A_255 = arith.constant 0.000000e+00 : f32
        %parallel_loop3A_256 = vector.broadcast %parallel_loop3A_255 : f32 to vector<16xf32>
        %parallel_loop3A_257 = arith.constant 0 : i32
        %parallel_loop3A_258 = arith.constant 4 : i32
        %parallel_loop3A_259 = arith.addi %parallel_loop3A_257, %parallel_loop3A_258 : i32
        %parallel_loop3A_260 = arith.constant 1 : i32
        %parallel_loop3A_261:4 = scf.for %scan3A_272 = %parallel_loop3A_257 to %parallel_loop3A_259 step %parallel_loop3A_260 iter_args(%scan3A_273 = %parallel_loop3A_256, %scan3A_274 = %parallel_loop3A_256, %scan3A_275 = %parallel_loop3A_256, %scan3A_276 = %parallel_loop3A_256) -> (vector<16xf32>, vector<16xf32>, vector<16xf32>, vector<16xf32>)  : i32 {
          %parallel_loop3A_277 = arith.constant 8 : i32
          %parallel_loop3A_278 = arith.muli %scan3A_272, %parallel_loop3A_277 : i32
          %parallel_loop3A_279 = arith.constant 0 : i32
          %parallel_loop3A_280 = arith.addi %parallel_loop3A_278, %parallel_loop3A_279 : i32
          %parallel_loop3A_281 = vector.broadcast %parallel_loop3A_280 : i32 to vector<16xi32>
          %parallel_loop3A_282 = arith.addi %parallel_loop3A_254, %parallel_loop3A_281 : vector<16xi32>
          %parallel_loop3A_283 = arith.constant 31 : i32
          %parallel_loop3A_284 = vector.broadcast %parallel_loop3A_283 : i32 to vector<16xi32>
          %parallel_loop3A_285 = arith.andi %parallel_loop3A_282, %parallel_loop3A_284 : vector<16xi32>
          %parallel_loop3A_286 = arith.constant 0 : i32
          %parallel_loop3A_287 = arith.constant 0 : i32
          %parallel_loop3A_288 = arith.constant 0 : i32
          %parallel_loop3A_289 = tpu.memref_slice %arg9[%parallel_loop3A_286, %parallel_loop3A_287, %parallel_loop3A_288] : memref<2x128x32xi32, #tpu.memory_space<vmem>> -> memref<1x128x32xi32, #tpu.memory_space<vmem>>
          %parallel_loop3A_290 = tpu.memref_squeeze %parallel_loop3A_289 : memref<1x128x32xi32, #tpu.memory_space<vmem>> -> memref<128x32xi32, #tpu.memory_space<vmem>>
          %parallel_loop3A_291 = tpu.vector_load_idx %parallel_loop3A_290[%parallel_loop3A_245, %parallel_loop3A_285] : memref<128x32xi32, #tpu.memory_space<vmem>>[vector<16xi32>, vector<16xi32>], vector<16xi32>,
          %parallel_loop3A_292 = arith.constant 0 : i32
          %parallel_loop3A_293 = arith.constant 0 : i32
          %parallel_loop3A_294 = arith.constant 0 : i32
          %parallel_loop3A_295 = tpu.memref_slice %arg10[%parallel_loop3A_292, %parallel_loop3A_293, %parallel_loop3A_294] : memref<2x128x32xi32, #tpu.memory_space<vmem>> -> memref<1x128x32xi32, #tpu.memory_space<vmem>>
          %parallel_loop3A_296 = tpu.memref_squeeze %parallel_loop3A_295 : memref<1x128x32xi32, #tpu.memory_space<vmem>> -> memref<128x32xi32, #tpu.memory_space<vmem>>
          %parallel_loop3A_297 = tpu.vector_load_idx %parallel_loop3A_296[%parallel_loop3A_245, %parallel_loop3A_285] : memref<128x32xi32, #tpu.memory_space<vmem>>[vector<16xi32>, vector<16xi32>], vector<16xi32>,
          %parallel_loop3A_298 = tpu.vector_load_idx %arg7[%parallel_loop3A_253, %parallel_loop3A_285] : memref<100x32xi32, #tpu.memory_space<vmem>>[vector<16xi32>, vector<16xi32>], vector<16xi32>,
          %parallel_loop3A_299 = vector.bitcast %parallel_loop3A_291 : vector<16xi32> to vector<32xbf16>
          %parallel_loop3A_300 = vector.bitcast %parallel_loop3A_297 : vector<16xi32> to vector<32xbf16>
          %parallel_loop3A_301 = arith.mulf %parallel_loop3A_299, %parallel_loop3A_300 : vector<32xbf16>
          %parallel_loop3A_302 = vector.bitcast %parallel_loop3A_298 : vector<16xi32> to vector<32xbf16>
          %parallel_loop3A_303 = arith.mulf %parallel_loop3A_301, %parallel_loop3A_302 : vector<32xbf16>
          %parallel_loop3A_304 = vector.bitcast %parallel_loop3A_303 : vector<32xbf16> to vector<16xi32>
          %parallel_loop3A_305 = arith.constant 16 : i32
          %parallel_loop3A_306 = vector.broadcast %parallel_loop3A_305 : i32 to vector<16xi32>
          %parallel_loop3A_307 = arith.shli %parallel_loop3A_304, %parallel_loop3A_306 : vector<16xi32>
          %parallel_loop3A_308 = vector.bitcast %parallel_loop3A_307 : vector<16xi32> to vector<16xf32>
          %parallel_loop3A_309 = arith.andi %parallel_loop3A_304, %broadcast_in_dim3A_7 : vector<16xi32>
          %parallel_loop3A_310 = vector.bitcast %parallel_loop3A_309 : vector<16xi32> to vector<16xf32>
          %parallel_loop3A_311 = arith.addf %scan3A_273, %parallel_loop3A_308 : vector<16xf32>
          %parallel_loop3A_312 = arith.addf %scan3A_275, %parallel_loop3A_310 : vector<16xf32>
          %parallel_loop3A_313 = arith.constant 8 : i32
          %parallel_loop3A_314 = arith.muli %scan3A_272, %parallel_loop3A_313 : i32
          %parallel_loop3A_315 = arith.constant 1 : i32
          %parallel_loop3A_316 = arith.addi %parallel_loop3A_314, %parallel_loop3A_315 : i32
          %parallel_loop3A_317 = vector.broadcast %parallel_loop3A_316 : i32 to vector<16xi32>
          %parallel_loop3A_318 = arith.addi %parallel_loop3A_254, %parallel_loop3A_317 : vector<16xi32>
          %parallel_loop3A_319 = arith.constant 31 : i32
          %parallel_loop3A_320 = vector.broadcast %parallel_loop3A_319 : i32 to vector<16xi32>
          %parallel_loop3A_321 = arith.andi %parallel_loop3A_318, %parallel_loop3A_320 : vector<16xi32>
          %parallel_loop3A_322 = arith.constant 0 : i32
          %parallel_loop3A_323 = arith.constant 0 : i32
          %parallel_loop3A_324 = arith.constant 0 : i32
          %parallel_loop3A_325 = tpu.memref_slice %arg9[%parallel_loop3A_322, %parallel_loop3A_323, %parallel_loop3A_324] : memref<2x128x32xi32, #tpu.memory_space<vmem>> -> memref<1x128x32xi32, #tpu.memory_space<vmem>>
          %parallel_loop3A_326 = tpu.memref_squeeze %parallel_loop3A_325 : memref<1x128x32xi32, #tpu.memory_space<vmem>> -> memref<128x32xi32, #tpu.memory_space<vmem>>
          %parallel_loop3A_327 = tpu.vector_load_idx %parallel_loop3A_326[%parallel_loop3A_245, %parallel_loop3A_321] : memref<128x32xi32, #tpu.memory_space<vmem>>[vector<16xi32>, vector<16xi32>], vector<16xi32>,
          %parallel_loop3A_328 = arith.constant 0 : i32
          %parallel_loop3A_329 = arith.constant 0 : i32
          %parallel_loop3A_330 = arith.constant 0 : i32
          %parallel_loop3A_331 = tpu.memref_slice %arg10[%parallel_loop3A_328, %parallel_loop3A_329, %parallel_loop3A_330] : memref<2x128x32xi32, #tpu.memory_space<vmem>> -> memref<1x128x32xi32, #tpu.memory_space<vmem>>
          %parallel_loop3A_332 = tpu.memref_squeeze %parallel_loop3A_331 : memref<1x128x32xi32, #tpu.memory_space<vmem>> -> memref<128x32xi32, #tpu.memory_space<vmem>>
          %parallel_loop3A_333 = tpu.vector_load_idx %parallel_loop3A_332[%parallel_loop3A_245, %parallel_loop3A_321] : memref<128x32xi32, #tpu.memory_space<vmem>>[vector<16xi32>, vector<16xi32>], vector<16xi32>,
          %parallel_loop3A_334 = tpu.vector_load_idx %arg7[%parallel_loop3A_253, %parallel_loop3A_321] : memref<100x32xi32, #tpu.memory_space<vmem>>[vector<16xi32>, vector<16xi32>], vector<16xi32>,
          %parallel_loop3A_335 = vector.bitcast %parallel_loop3A_327 : vector<16xi32> to vector<32xbf16>
          %parallel_loop3A_336 = vector.bitcast %parallel_loop3A_333 : vector<16xi32> to vector<32xbf16>
          %parallel_loop3A_337 = arith.mulf %parallel_loop3A_335, %parallel_loop3A_336 : vector<32xbf16>
          %parallel_loop3A_338 = vector.bitcast %parallel_loop3A_334 : vector<16xi32> to vector<32xbf16>
          %parallel_loop3A_339 = arith.mulf %parallel_loop3A_337, %parallel_loop3A_338 : vector<32xbf16>
          %parallel_loop3A_340 = vector.bitcast %parallel_loop3A_339 : vector<32xbf16> to vector<16xi32>
          %parallel_loop3A_341 = arith.constant 16 : i32
          %parallel_loop3A_342 = vector.broadcast %parallel_loop3A_341 : i32 to vector<16xi32>
          %parallel_loop3A_343 = arith.shli %parallel_loop3A_340, %parallel_loop3A_342 : vector<16xi32>
          %parallel_loop3A_344 = vector.bitcast %parallel_loop3A_343 : vector<16xi32> to vector<16xf32>
          %parallel_loop3A_345 = arith.andi %parallel_loop3A_340, %broadcast_in_dim3A_7 : vector<16xi32>
          %parallel_loop3A_346 = vector.bitcast %parallel_loop3A_345 : vector<16xi32> to vector<16xf32>
          %parallel_loop3A_347 = arith.addf %scan3A_274, %parallel_loop3A_344 : vector<16xf32>
          %parallel_loop3A_348 = arith.addf %scan3A_276, %parallel_loop3A_346 : vector<16xf32>
          %parallel_loop3A_349 = arith.constant 8 : i32
          %parallel_loop3A_350 = arith.muli %scan3A_272, %parallel_loop3A_349 : i32
          %parallel_loop3A_351 = arith.constant 2 : i32
          %parallel_loop3A_352 = arith.addi %parallel_loop3A_350, %parallel_loop3A_351 : i32
          %parallel_loop3A_353 = vector.broadcast %parallel_loop3A_352 : i32 to vector<16xi32>
          %parallel_loop3A_354 = arith.addi %parallel_loop3A_254, %parallel_loop3A_353 : vector<16xi32>
          %parallel_loop3A_355 = arith.constant 31 : i32
          %parallel_loop3A_356 = vector.broadcast %parallel_loop3A_355 : i32 to vector<16xi32>
          %parallel_loop3A_357 = arith.andi %parallel_loop3A_354, %parallel_loop3A_356 : vector<16xi32>
          %parallel_loop3A_358 = arith.constant 0 : i32
          %parallel_loop3A_359 = arith.constant 0 : i32
          %parallel_loop3A_360 = arith.constant 0 : i32
          %parallel_loop3A_361 = tpu.memref_slice %arg9[%parallel_loop3A_358, %parallel_loop3A_359, %parallel_loop3A_360] : memref<2x128x32xi32, #tpu.memory_space<vmem>> -> memref<1x128x32xi32, #tpu.memory_space<vmem>>
          %parallel_loop3A_362 = tpu.memref_squeeze %parallel_loop3A_361 : memref<1x128x32xi32, #tpu.memory_space<vmem>> -> memref<128x32xi32, #tpu.memory_space<vmem>>
          %parallel_loop3A_363 = tpu.vector_load_idx %parallel_loop3A_362[%parallel_loop3A_245, %parallel_loop3A_357] : memref<128x32xi32, #tpu.memory_space<vmem>>[vector<16xi32>, vector<16xi32>], vector<16xi32>,
          %parallel_loop3A_364 = arith.constant 0 : i32
          %parallel_loop3A_365 = arith.constant 0 : i32
          %parallel_loop3A_366 = arith.constant 0 : i32
          %parallel_loop3A_367 = tpu.memref_slice %arg10[%parallel_loop3A_364, %parallel_loop3A_365, %parallel_loop3A_366] : memref<2x128x32xi32, #tpu.memory_space<vmem>> -> memref<1x128x32xi32, #tpu.memory_space<vmem>>
          %parallel_loop3A_368 = tpu.memref_squeeze %parallel_loop3A_367 : memref<1x128x32xi32, #tpu.memory_space<vmem>> -> memref<128x32xi32, #tpu.memory_space<vmem>>
          %parallel_loop3A_369 = tpu.vector_load_idx %parallel_loop3A_368[%parallel_loop3A_245, %parallel_loop3A_357] : memref<128x32xi32, #tpu.memory_space<vmem>>[vector<16xi32>, vector<16xi32>], vector<16xi32>,
          %parallel_loop3A_370 = tpu.vector_load_idx %arg7[%parallel_loop3A_253, %parallel_loop3A_357] : memref<100x32xi32, #tpu.memory_space<vmem>>[vector<16xi32>, vector<16xi32>], vector<16xi32>,
          %parallel_loop3A_371 = vector.bitcast %parallel_loop3A_363 : vector<16xi32> to vector<32xbf16>
          %parallel_loop3A_372 = vector.bitcast %parallel_loop3A_369 : vector<16xi32> to vector<32xbf16>
          %parallel_loop3A_373 = arith.mulf %parallel_loop3A_371, %parallel_loop3A_372 : vector<32xbf16>
          %parallel_loop3A_374 = vector.bitcast %parallel_loop3A_370 : vector<16xi32> to vector<32xbf16>
          %parallel_loop3A_375 = arith.mulf %parallel_loop3A_373, %parallel_loop3A_374 : vector<32xbf16>
          %parallel_loop3A_376 = vector.bitcast %parallel_loop3A_375 : vector<32xbf16> to vector<16xi32>
          %parallel_loop3A_377 = arith.constant 16 : i32
          %parallel_loop3A_378 = vector.broadcast %parallel_loop3A_377 : i32 to vector<16xi32>
          %parallel_loop3A_379 = arith.shli %parallel_loop3A_376, %parallel_loop3A_378 : vector<16xi32>
          %parallel_loop3A_380 = vector.bitcast %parallel_loop3A_379 : vector<16xi32> to vector<16xf32>
          %parallel_loop3A_381 = arith.andi %parallel_loop3A_376, %broadcast_in_dim3A_7 : vector<16xi32>
          %parallel_loop3A_382 = vector.bitcast %parallel_loop3A_381 : vector<16xi32> to vector<16xf32>
          %parallel_loop3A_383 = arith.addf %parallel_loop3A_311, %parallel_loop3A_380 : vector<16xf32>
          %parallel_loop3A_384 = arith.addf %parallel_loop3A_312, %parallel_loop3A_382 : vector<16xf32>
          %parallel_loop3A_385 = arith.constant 8 : i32
          %parallel_loop3A_386 = arith.muli %scan3A_272, %parallel_loop3A_385 : i32
          %parallel_loop3A_387 = arith.constant 3 : i32
          %parallel_loop3A_388 = arith.addi %parallel_loop3A_386, %parallel_loop3A_387 : i32
          %parallel_loop3A_389 = vector.broadcast %parallel_loop3A_388 : i32 to vector<16xi32>
          %parallel_loop3A_390 = arith.addi %parallel_loop3A_254, %parallel_loop3A_389 : vector<16xi32>
          %parallel_loop3A_391 = arith.constant 31 : i32
          %parallel_loop3A_392 = vector.broadcast %parallel_loop3A_391 : i32 to vector<16xi32>
          %parallel_loop3A_393 = arith.andi %parallel_loop3A_390, %parallel_loop3A_392 : vector<16xi32>
          %parallel_loop3A_394 = arith.constant 0 : i32
          %parallel_loop3A_395 = arith.constant 0 : i32
          %parallel_loop3A_396 = arith.constant 0 : i32
          %parallel_loop3A_397 = tpu.memref_slice %arg9[%parallel_loop3A_394, %parallel_loop3A_395, %parallel_loop3A_396] : memref<2x128x32xi32, #tpu.memory_space<vmem>> -> memref<1x128x32xi32, #tpu.memory_space<vmem>>
          %parallel_loop3A_398 = tpu.memref_squeeze %parallel_loop3A_397 : memref<1x128x32xi32, #tpu.memory_space<vmem>> -> memref<128x32xi32, #tpu.memory_space<vmem>>
          %parallel_loop3A_399 = tpu.vector_load_idx %parallel_loop3A_398[%parallel_loop3A_245, %parallel_loop3A_393] : memref<128x32xi32, #tpu.memory_space<vmem>>[vector<16xi32>, vector<16xi32>], vector<16xi32>,
          %parallel_loop3A_400 = arith.constant 0 : i32
          %parallel_loop3A_401 = arith.constant 0 : i32
          %parallel_loop3A_402 = arith.constant 0 : i32
          %parallel_loop3A_403 = tpu.memref_slice %arg10[%parallel_loop3A_400, %parallel_loop3A_401, %parallel_loop3A_402] : memref<2x128x32xi32, #tpu.memory_space<vmem>> -> memref<1x128x32xi32, #tpu.memory_space<vmem>>
          %parallel_loop3A_404 = tpu.memref_squeeze %parallel_loop3A_403 : memref<1x128x32xi32, #tpu.memory_space<vmem>> -> memref<128x32xi32, #tpu.memory_space<vmem>>
          %parallel_loop3A_405 = tpu.vector_load_idx %parallel_loop3A_404[%parallel_loop3A_245, %parallel_loop3A_393] : memref<128x32xi32, #tpu.memory_space<vmem>>[vector<16xi32>, vector<16xi32>], vector<16xi32>,
          %parallel_loop3A_406 = tpu.vector_load_idx %arg7[%parallel_loop3A_253, %parallel_loop3A_393] : memref<100x32xi32, #tpu.memory_space<vmem>>[vector<16xi32>, vector<16xi32>], vector<16xi32>,
          %parallel_loop3A_407 = vector.bitcast %parallel_loop3A_399 : vector<16xi32> to vector<32xbf16>
          %parallel_loop3A_408 = vector.bitcast %parallel_loop3A_405 : vector<16xi32> to vector<32xbf16>
          %parallel_loop3A_409 = arith.mulf %parallel_loop3A_407, %parallel_loop3A_408 : vector<32xbf16>
          %parallel_loop3A_410 = vector.bitcast %parallel_loop3A_406 : vector<16xi32> to vector<32xbf16>
          %parallel_loop3A_411 = arith.mulf %parallel_loop3A_409, %parallel_loop3A_410 : vector<32xbf16>
          %parallel_loop3A_412 = vector.bitcast %parallel_loop3A_411 : vector<32xbf16> to vector<16xi32>
          %parallel_loop3A_413 = arith.constant 16 : i32
          %parallel_loop3A_414 = vector.broadcast %parallel_loop3A_413 : i32 to vector<16xi32>
          %parallel_loop3A_415 = arith.shli %parallel_loop3A_412, %parallel_loop3A_414 : vector<16xi32>
          %parallel_loop3A_416 = vector.bitcast %parallel_loop3A_415 : vector<16xi32> to vector<16xf32>
          %parallel_loop3A_417 = arith.andi %parallel_loop3A_412, %broadcast_in_dim3A_7 : vector<16xi32>
          %parallel_loop3A_418 = vector.bitcast %parallel_loop3A_417 : vector<16xi32> to vector<16xf32>
          %parallel_loop3A_419 = arith.addf %parallel_loop3A_347, %parallel_loop3A_416 : vector<16xf32>
          %parallel_loop3A_420 = arith.addf %parallel_loop3A_348, %parallel_loop3A_418 : vector<16xf32>
          %parallel_loop3A_421 = arith.constant 8 : i32
          %parallel_loop3A_422 = arith.muli %scan3A_272, %parallel_loop3A_421 : i32
          %parallel_loop3A_423 = arith.constant 4 : i32
          %parallel_loop3A_424 = arith.addi %parallel_loop3A_422, %parallel_loop3A_423 : i32
          %parallel_loop3A_425 = vector.broadcast %parallel_loop3A_424 : i32 to vector<16xi32>
          %parallel_loop3A_426 = arith.addi %parallel_loop3A_254, %parallel_loop3A_425 : vector<16xi32>
          %parallel_loop3A_427 = arith.constant 31 : i32
          %parallel_loop3A_428 = vector.broadcast %parallel_loop3A_427 : i32 to vector<16xi32>
          %parallel_loop3A_429 = arith.andi %parallel_loop3A_426, %parallel_loop3A_428 : vector<16xi32>
          %parallel_loop3A_430 = arith.constant 0 : i32
          %parallel_loop3A_431 = arith.constant 0 : i32
          %parallel_loop3A_432 = arith.constant 0 : i32
          %parallel_loop3A_433 = tpu.memref_slice %arg9[%parallel_loop3A_430, %parallel_loop3A_431, %parallel_loop3A_432] : memref<2x128x32xi32, #tpu.memory_space<vmem>> -> memref<1x128x32xi32, #tpu.memory_space<vmem>>
          %parallel_loop3A_434 = tpu.memref_squeeze %parallel_loop3A_433 : memref<1x128x32xi32, #tpu.memory_space<vmem>> -> memref<128x32xi32, #tpu.memory_space<vmem>>
          %parallel_loop3A_435 = tpu.vector_load_idx %parallel_loop3A_434[%parallel_loop3A_245, %parallel_loop3A_429] : memref<128x32xi32, #tpu.memory_space<vmem>>[vector<16xi32>, vector<16xi32>], vector<16xi32>,
          %parallel_loop3A_436 = arith.constant 0 : i32
          %parallel_loop3A_437 = arith.constant 0 : i32
          %parallel_loop3A_438 = arith.constant 0 : i32
          %parallel_loop3A_439 = tpu.memref_slice %arg10[%parallel_loop3A_436, %parallel_loop3A_437, %parallel_loop3A_438] : memref<2x128x32xi32, #tpu.memory_space<vmem>> -> memref<1x128x32xi32, #tpu.memory_space<vmem>>
          %parallel_loop3A_440 = tpu.memref_squeeze %parallel_loop3A_439 : memref<1x128x32xi32, #tpu.memory_space<vmem>> -> memref<128x32xi32, #tpu.memory_space<vmem>>
          %parallel_loop3A_441 = tpu.vector_load_idx %parallel_loop3A_440[%parallel_loop3A_245, %parallel_loop3A_429] : memref<128x32xi32, #tpu.memory_space<vmem>>[vector<16xi32>, vector<16xi32>], vector<16xi32>,
          %parallel_loop3A_442 = tpu.vector_load_idx %arg7[%parallel_loop3A_253, %parallel_loop3A_429] : memref<100x32xi32, #tpu.memory_space<vmem>>[vector<16xi32>, vector<16xi32>], vector<16xi32>,
          %parallel_loop3A_443 = vector.bitcast %parallel_loop3A_435 : vector<16xi32> to vector<32xbf16>
          %parallel_loop3A_444 = vector.bitcast %parallel_loop3A_441 : vector<16xi32> to vector<32xbf16>
          %parallel_loop3A_445 = arith.mulf %parallel_loop3A_443, %parallel_loop3A_444 : vector<32xbf16>
          %parallel_loop3A_446 = vector.bitcast %parallel_loop3A_442 : vector<16xi32> to vector<32xbf16>
          %parallel_loop3A_447 = arith.mulf %parallel_loop3A_445, %parallel_loop3A_446 : vector<32xbf16>
          %parallel_loop3A_448 = vector.bitcast %parallel_loop3A_447 : vector<32xbf16> to vector<16xi32>
          %parallel_loop3A_449 = arith.constant 16 : i32
          %parallel_loop3A_450 = vector.broadcast %parallel_loop3A_449 : i32 to vector<16xi32>
          %parallel_loop3A_451 = arith.shli %parallel_loop3A_448, %parallel_loop3A_450 : vector<16xi32>
          %parallel_loop3A_452 = vector.bitcast %parallel_loop3A_451 : vector<16xi32> to vector<16xf32>
          %parallel_loop3A_453 = arith.andi %parallel_loop3A_448, %broadcast_in_dim3A_7 : vector<16xi32>
          %parallel_loop3A_454 = vector.bitcast %parallel_loop3A_453 : vector<16xi32> to vector<16xf32>
          %parallel_loop3A_455 = arith.addf %parallel_loop3A_383, %parallel_loop3A_452 : vector<16xf32>
          %parallel_loop3A_456 = arith.addf %parallel_loop3A_384, %parallel_loop3A_454 : vector<16xf32>
          %parallel_loop3A_457 = arith.constant 8 : i32
          %parallel_loop3A_458 = arith.muli %scan3A_272, %parallel_loop3A_457 : i32
          %parallel_loop3A_459 = arith.constant 5 : i32
          %parallel_loop3A_460 = arith.addi %parallel_loop3A_458, %parallel_loop3A_459 : i32
          %parallel_loop3A_461 = vector.broadcast %parallel_loop3A_460 : i32 to vector<16xi32>
          %parallel_loop3A_462 = arith.addi %parallel_loop3A_254, %parallel_loop3A_461 : vector<16xi32>
          %parallel_loop3A_463 = arith.constant 31 : i32
          %parallel_loop3A_464 = vector.broadcast %parallel_loop3A_463 : i32 to vector<16xi32>
          %parallel_loop3A_465 = arith.andi %parallel_loop3A_462, %parallel_loop3A_464 : vector<16xi32>
          %parallel_loop3A_466 = arith.constant 0 : i32
          %parallel_loop3A_467 = arith.constant 0 : i32
          %parallel_loop3A_468 = arith.constant 0 : i32
          %parallel_loop3A_469 = tpu.memref_slice %arg9[%parallel_loop3A_466, %parallel_loop3A_467, %parallel_loop3A_468] : memref<2x128x32xi32, #tpu.memory_space<vmem>> -> memref<1x128x32xi32, #tpu.memory_space<vmem>>
          %parallel_loop3A_470 = tpu.memref_squeeze %parallel_loop3A_469 : memref<1x128x32xi32, #tpu.memory_space<vmem>> -> memref<128x32xi32, #tpu.memory_space<vmem>>
          %parallel_loop3A_471 = tpu.vector_load_idx %parallel_loop3A_470[%parallel_loop3A_245, %parallel_loop3A_465] : memref<128x32xi32, #tpu.memory_space<vmem>>[vector<16xi32>, vector<16xi32>], vector<16xi32>,
          %parallel_loop3A_472 = arith.constant 0 : i32
          %parallel_loop3A_473 = arith.constant 0 : i32
          %parallel_loop3A_474 = arith.constant 0 : i32
          %parallel_loop3A_475 = tpu.memref_slice %arg10[%parallel_loop3A_472, %parallel_loop3A_473, %parallel_loop3A_474] : memref<2x128x32xi32, #tpu.memory_space<vmem>> -> memref<1x128x32xi32, #tpu.memory_space<vmem>>
          %parallel_loop3A_476 = tpu.memref_squeeze %parallel_loop3A_475 : memref<1x128x32xi32, #tpu.memory_space<vmem>> -> memref<128x32xi32, #tpu.memory_space<vmem>>
          %parallel_loop3A_477 = tpu.vector_load_idx %parallel_loop3A_476[%parallel_loop3A_245, %parallel_loop3A_465] : memref<128x32xi32, #tpu.memory_space<vmem>>[vector<16xi32>, vector<16xi32>], vector<16xi32>,
          %parallel_loop3A_478 = tpu.vector_load_idx %arg7[%parallel_loop3A_253, %parallel_loop3A_465] : memref<100x32xi32, #tpu.memory_space<vmem>>[vector<16xi32>, vector<16xi32>], vector<16xi32>,
          %parallel_loop3A_479 = vector.bitcast %parallel_loop3A_471 : vector<16xi32> to vector<32xbf16>
          %parallel_loop3A_480 = vector.bitcast %parallel_loop3A_477 : vector<16xi32> to vector<32xbf16>
          %parallel_loop3A_481 = arith.mulf %parallel_loop3A_479, %parallel_loop3A_480 : vector<32xbf16>
          %parallel_loop3A_482 = vector.bitcast %parallel_loop3A_478 : vector<16xi32> to vector<32xbf16>
          %parallel_loop3A_483 = arith.mulf %parallel_loop3A_481, %parallel_loop3A_482 : vector<32xbf16>
          %parallel_loop3A_484 = vector.bitcast %parallel_loop3A_483 : vector<32xbf16> to vector<16xi32>
          %parallel_loop3A_485 = arith.constant 16 : i32
          %parallel_loop3A_486 = vector.broadcast %parallel_loop3A_485 : i32 to vector<16xi32>
          %parallel_loop3A_487 = arith.shli %parallel_loop3A_484, %parallel_loop3A_486 : vector<16xi32>
          %parallel_loop3A_488 = vector.bitcast %parallel_loop3A_487 : vector<16xi32> to vector<16xf32>
          %parallel_loop3A_489 = arith.andi %parallel_loop3A_484, %broadcast_in_dim3A_7 : vector<16xi32>
          %parallel_loop3A_490 = vector.bitcast %parallel_loop3A_489 : vector<16xi32> to vector<16xf32>
          %parallel_loop3A_491 = arith.addf %parallel_loop3A_419, %parallel_loop3A_488 : vector<16xf32>
          %parallel_loop3A_492 = arith.addf %parallel_loop3A_420, %parallel_loop3A_490 : vector<16xf32>
          %parallel_loop3A_493 = arith.constant 8 : i32
          %parallel_loop3A_494 = arith.muli %scan3A_272, %parallel_loop3A_493 : i32
          %parallel_loop3A_495 = arith.constant 6 : i32
          %parallel_loop3A_496 = arith.addi %parallel_loop3A_494, %parallel_loop3A_495 : i32
          %parallel_loop3A_497 = vector.broadcast %parallel_loop3A_496 : i32 to vector<16xi32>
          %parallel_loop3A_498 = arith.addi %parallel_loop3A_254, %parallel_loop3A_497 : vector<16xi32>
          %parallel_loop3A_499 = arith.constant 31 : i32
          %parallel_loop3A_500 = vector.broadcast %parallel_loop3A_499 : i32 to vector<16xi32>
          %parallel_loop3A_501 = arith.andi %parallel_loop3A_498, %parallel_loop3A_500 : vector<16xi32>
          %parallel_loop3A_502 = arith.constant 0 : i32
          %parallel_loop3A_503 = arith.constant 0 : i32
          %parallel_loop3A_504 = arith.constant 0 : i32
          %parallel_loop3A_505 = tpu.memref_slice %arg9[%parallel_loop3A_502, %parallel_loop3A_503, %parallel_loop3A_504] : memref<2x128x32xi32, #tpu.memory_space<vmem>> -> memref<1x128x32xi32, #tpu.memory_space<vmem>>
          %parallel_loop3A_506 = tpu.memref_squeeze %parallel_loop3A_505 : memref<1x128x32xi32, #tpu.memory_space<vmem>> -> memref<128x32xi32, #tpu.memory_space<vmem>>
          %parallel_loop3A_507 = tpu.vector_load_idx %parallel_loop3A_506[%parallel_loop3A_245, %parallel_loop3A_501] : memref<128x32xi32, #tpu.memory_space<vmem>>[vector<16xi32>, vector<16xi32>], vector<16xi32>,
          %parallel_loop3A_508 = arith.constant 0 : i32
          %parallel_loop3A_509 = arith.constant 0 : i32
          %parallel_loop3A_510 = arith.constant 0 : i32
          %parallel_loop3A_511 = tpu.memref_slice %arg10[%parallel_loop3A_508, %parallel_loop3A_509, %parallel_loop3A_510] : memref<2x128x32xi32, #tpu.memory_space<vmem>> -> memref<1x128x32xi32, #tpu.memory_space<vmem>>
          %parallel_loop3A_512 = tpu.memref_squeeze %parallel_loop3A_511 : memref<1x128x32xi32, #tpu.memory_space<vmem>> -> memref<128x32xi32, #tpu.memory_space<vmem>>
          %parallel_loop3A_513 = tpu.vector_load_idx %parallel_loop3A_512[%parallel_loop3A_245, %parallel_loop3A_501] : memref<128x32xi32, #tpu.memory_space<vmem>>[vector<16xi32>, vector<16xi32>], vector<16xi32>,
          %parallel_loop3A_514 = tpu.vector_load_idx %arg7[%parallel_loop3A_253, %parallel_loop3A_501] : memref<100x32xi32, #tpu.memory_space<vmem>>[vector<16xi32>, vector<16xi32>], vector<16xi32>,
          %parallel_loop3A_515 = vector.bitcast %parallel_loop3A_507 : vector<16xi32> to vector<32xbf16>
          %parallel_loop3A_516 = vector.bitcast %parallel_loop3A_513 : vector<16xi32> to vector<32xbf16>
          %parallel_loop3A_517 = arith.mulf %parallel_loop3A_515, %parallel_loop3A_516 : vector<32xbf16>
          %parallel_loop3A_518 = vector.bitcast %parallel_loop3A_514 : vector<16xi32> to vector<32xbf16>
          %parallel_loop3A_519 = arith.mulf %parallel_loop3A_517, %parallel_loop3A_518 : vector<32xbf16>
          %parallel_loop3A_520 = vector.bitcast %parallel_loop3A_519 : vector<32xbf16> to vector<16xi32>
          %parallel_loop3A_521 = arith.constant 16 : i32
          %parallel_loop3A_522 = vector.broadcast %parallel_loop3A_521 : i32 to vector<16xi32>
          %parallel_loop3A_523 = arith.shli %parallel_loop3A_520, %parallel_loop3A_522 : vector<16xi32>
          %parallel_loop3A_524 = vector.bitcast %parallel_loop3A_523 : vector<16xi32> to vector<16xf32>
          %parallel_loop3A_525 = arith.andi %parallel_loop3A_520, %broadcast_in_dim3A_7 : vector<16xi32>
          %parallel_loop3A_526 = vector.bitcast %parallel_loop3A_525 : vector<16xi32> to vector<16xf32>
          %parallel_loop3A_527 = arith.addf %parallel_loop3A_455, %parallel_loop3A_524 : vector<16xf32>
          %parallel_loop3A_528 = arith.addf %parallel_loop3A_456, %parallel_loop3A_526 : vector<16xf32>
          %parallel_loop3A_529 = arith.constant 8 : i32
          %parallel_loop3A_530 = arith.muli %scan3A_272, %parallel_loop3A_529 : i32
          %parallel_loop3A_531 = arith.constant 7 : i32
          %parallel_loop3A_532 = arith.addi %parallel_loop3A_530, %parallel_loop3A_531 : i32
          %parallel_loop3A_533 = vector.broadcast %parallel_loop3A_532 : i32 to vector<16xi32>
          %parallel_loop3A_534 = arith.addi %parallel_loop3A_254, %parallel_loop3A_533 : vector<16xi32>
          %parallel_loop3A_535 = arith.constant 31 : i32
          %parallel_loop3A_536 = vector.broadcast %parallel_loop3A_535 : i32 to vector<16xi32>
          %parallel_loop3A_537 = arith.andi %parallel_loop3A_534, %parallel_loop3A_536 : vector<16xi32>
          %parallel_loop3A_538 = arith.constant 0 : i32
          %parallel_loop3A_539 = arith.constant 0 : i32
          %parallel_loop3A_540 = arith.constant 0 : i32
          %parallel_loop3A_541 = tpu.memref_slice %arg9[%parallel_loop3A_538, %parallel_loop3A_539, %parallel_loop3A_540] : memref<2x128x32xi32, #tpu.memory_space<vmem>> -> memref<1x128x32xi32, #tpu.memory_space<vmem>>
          %parallel_loop3A_542 = tpu.memref_squeeze %parallel_loop3A_541 : memref<1x128x32xi32, #tpu.memory_space<vmem>> -> memref<128x32xi32, #tpu.memory_space<vmem>>
          %parallel_loop3A_543 = tpu.vector_load_idx %parallel_loop3A_542[%parallel_loop3A_245, %parallel_loop3A_537] : memref<128x32xi32, #tpu.memory_space<vmem>>[vector<16xi32>, vector<16xi32>], vector<16xi32>,
          %parallel_loop3A_544 = arith.constant 0 : i32
          %parallel_loop3A_545 = arith.constant 0 : i32
          %parallel_loop3A_546 = arith.constant 0 : i32
          %parallel_loop3A_547 = tpu.memref_slice %arg10[%parallel_loop3A_544, %parallel_loop3A_545, %parallel_loop3A_546] : memref<2x128x32xi32, #tpu.memory_space<vmem>> -> memref<1x128x32xi32, #tpu.memory_space<vmem>>
          %parallel_loop3A_548 = tpu.memref_squeeze %parallel_loop3A_547 : memref<1x128x32xi32, #tpu.memory_space<vmem>> -> memref<128x32xi32, #tpu.memory_space<vmem>>
          %parallel_loop3A_549 = tpu.vector_load_idx %parallel_loop3A_548[%parallel_loop3A_245, %parallel_loop3A_537] : memref<128x32xi32, #tpu.memory_space<vmem>>[vector<16xi32>, vector<16xi32>], vector<16xi32>,
          %parallel_loop3A_550 = tpu.vector_load_idx %arg7[%parallel_loop3A_253, %parallel_loop3A_537] : memref<100x32xi32, #tpu.memory_space<vmem>>[vector<16xi32>, vector<16xi32>], vector<16xi32>,
          %parallel_loop3A_551 = vector.bitcast %parallel_loop3A_543 : vector<16xi32> to vector<32xbf16>
          %parallel_loop3A_552 = vector.bitcast %parallel_loop3A_549 : vector<16xi32> to vector<32xbf16>
          %parallel_loop3A_553 = arith.mulf %parallel_loop3A_551, %parallel_loop3A_552 : vector<32xbf16>
          %parallel_loop3A_554 = vector.bitcast %parallel_loop3A_550 : vector<16xi32> to vector<32xbf16>
          %parallel_loop3A_555 = arith.mulf %parallel_loop3A_553, %parallel_loop3A_554 : vector<32xbf16>
          %parallel_loop3A_556 = vector.bitcast %parallel_loop3A_555 : vector<32xbf16> to vector<16xi32>
          %parallel_loop3A_557 = arith.constant 16 : i32
          %parallel_loop3A_558 = vector.broadcast %parallel_loop3A_557 : i32 to vector<16xi32>
          %parallel_loop3A_559 = arith.shli %parallel_loop3A_556, %parallel_loop3A_558 : vector<16xi32>
          %parallel_loop3A_560 = vector.bitcast %parallel_loop3A_559 : vector<16xi32> to vector<16xf32>
          %parallel_loop3A_561 = arith.andi %parallel_loop3A_556, %broadcast_in_dim3A_7 : vector<16xi32>
          %parallel_loop3A_562 = vector.bitcast %parallel_loop3A_561 : vector<16xi32> to vector<16xf32>
          %parallel_loop3A_563 = arith.addf %parallel_loop3A_491, %parallel_loop3A_560 : vector<16xf32>
          %parallel_loop3A_564 = arith.addf %parallel_loop3A_492, %parallel_loop3A_562 : vector<16xf32>
          scf.yield %parallel_loop3A_527, %parallel_loop3A_563, %parallel_loop3A_528, %parallel_loop3A_564 : vector<16xf32>, vector<16xf32>, vector<16xf32>, vector<16xf32>
        }
        %parallel_loop3A_262 = arith.constant 4 : i32
        %parallel_loop3A_263 = arith.addf %parallel_loop3A_261#0, %parallel_loop3A_261#1 : vector<16xf32>
        %parallel_loop3A_264 = arith.addf %parallel_loop3A_261#2, %parallel_loop3A_261#3 : vector<16xf32>
        %parallel_loop3A_265 = arith.addf %parallel_loop3A_263, %parallel_loop3A_264 : vector<16xf32>
        %parallel_loop3A_266 = arith.constant 16 : i32
        %parallel_loop3A_267 = arith.muli %parallel_loop3A_240, %parallel_loop3A_266 : i32
        %parallel_loop3A_268 = arith.constant 0 : i32
        %parallel_loop3A_269 = arith.index_cast %parallel_loop3A_268 : i32 to index
        %parallel_loop3A_270 = arith.index_cast %parallel_loop3A_267 : i32 to index
        %parallel_loop3A_271 = tpu.vector_load %arg11[%parallel_loop3A_269, %parallel_loop3A_270] {strides = array<i32>} : memref<2x128xf32, #tpu.memory_space<vmem>>, vector<16xf32>,
        tpu.vector_store %arg11[%parallel_loop3A_269, %parallel_loop3A_270], %parallel_loop3A_265 {strides = array<i32>} : memref<2x128xf32, #tpu.memory_space<vmem>>, vector<16xf32>,
      } {sc.loop_unroll_factor = 2 : i64, sc.parallel_access}
      %add3A_157 = arith.constant 2 : i32
      %add3A_158 = arith.addi %mul3A_120, %add3A_157 : i32
      %lt3A_159 = arith.constant 196 : i32
      %lt3A_160 = arith.cmpi slt, %add3A_158, %lt3A_159 : i32
      %convert_element_type3A_161 = arith.extui %lt3A_160 : i1 to i32
      %cond3A_162 = arith.constant 0 : i32
      %cond3A_163 = arith.cmpi ne, %convert_element_type3A_161, %cond3A_162 : i32
      scf.if %cond3A_163 {
        %add3A_240 = arith.constant 2 : i32
        %add3A_241 = arith.addi %mul3A_120, %add3A_240 : i32
        %add3A_242 = arith.addi %mul3A_2, %add3A_241 : i32
        %dma_start3A_243 = arith.constant 0 : i32
        %dma_start3A_244 = arith.constant 0 : i32
        %dma_start3A_245 = arith.constant 0 : i32
        %dma_start3A_246 = tpu.memref_slice %arg8[%dma_start3A_243, %dma_start3A_244, %dma_start3A_245] : memref<2x3x128xi32, #tpu.memory_space<vmem>> -> memref<1x3x128xi32, #tpu.memory_space<vmem>>
        %dma_start3A_247 = tpu.memref_squeeze %dma_start3A_246 : memref<1x3x128xi32, #tpu.memory_space<vmem>> -> memref<3x128xi32, #tpu.memory_space<vmem>>
        %dma_start3A_248 = arith.constant 0 : i32
        %dma_start3A_249 = arith.constant 0 : i32
        %dma_start3A_250 = tpu.memref_slice %arg4[%add3A_242, %dma_start3A_248, %dma_start3A_249] : memref<6272x3x128xi32, #tpu.memory_space<hbm>> -> memref<1x3x128xi32, #tpu.memory_space<hbm>>
        %dma_start3A_251 = tpu.memref_squeeze %dma_start3A_250 : memref<1x3x128xi32, #tpu.memory_space<hbm>> -> memref<3x128xi32, #tpu.memory_space<hbm>>
        %dma_start3A_252 = arith.constant 0 : i32
        %dma_start3A_253 = arith.constant 0 : i32
        %dma_start3A_254 = tpu.memref_slice %arg8[%dma_start3A_243, %dma_start3A_252, %dma_start3A_253] : memref<2x3x128xi32, #tpu.memory_space<vmem>> -> memref<1x3x128xi32, #tpu.memory_space<vmem>>
        %dma_start3A_255 = tpu.memref_squeeze %dma_start3A_254 : memref<1x3x128xi32, #tpu.memory_space<vmem>> -> memref<3x128xi32, #tpu.memory_space<vmem>>
        %dma_start3A_256 = arith.constant 0 : i32
        %dma_start3A_257 = arith.constant 0 : i32
        %dma_start3A_258 = tpu.memref_slice %arg4[%add3A_242, %dma_start3A_256, %dma_start3A_257] : memref<6272x3x128xi32, #tpu.memory_space<hbm>> -> memref<1x3x128xi32, #tpu.memory_space<hbm>>
        %dma_start3A_259 = tpu.memref_squeeze %dma_start3A_258 : memref<1x3x128xi32, #tpu.memory_space<hbm>> -> memref<3x128xi32, #tpu.memory_space<hbm>>
        tpu.enqueue_dma source(%dma_start3A_259 : memref<3x128xi32, #tpu.memory_space<hbm>>) target(%dma_start3A_255 : memref<3x128xi32, #tpu.memory_space<vmem>>) target_semaphore(%arg12 : memref<!tpu.dma_semaphore, #tpu.memory_space<semaphore_mem>>)
      } else {
      }
      %add3A_164 = arith.addi %mul3A_2, %mul3A_120 : i32
      %mul3A_165 = arith.constant 128 : i32
      %mul3A_166 = arith.muli %add3A_164, %mul3A_165 : i32
      %dma_start3A_167 = arith.constant 0 : i32
      %dma_start3A_168 = arith.constant 0 : i32
      %dma_start3A_169 = tpu.memref_slice %arg11[%dma_start3A_167, %dma_start3A_168] : memref<2x128xf32, #tpu.memory_space<vmem>> -> memref<1x128xf32, #tpu.memory_space<vmem>>
      %dma_start3A_170 = tpu.memref_squeeze %dma_start3A_169 : memref<1x128xf32, #tpu.memory_space<vmem>> -> memref<128xf32, #tpu.memory_space<vmem>>
      %dma_start3A_171 = tpu.memref_slice %arg5[%mul3A_166] : memref<802816xf32, #tpu.memory_space<hbm>> -> memref<128xf32, #tpu.memory_space<hbm>>
      %dma_start3A_172 = tpu.memref_slice %arg5[%mul3A_166] : memref<802816xf32, #tpu.memory_space<hbm>> -> memref<128xf32, #tpu.memory_space<hbm>>
      %dma_start3A_173 = arith.constant 0 : i32
      %dma_start3A_174 = tpu.memref_slice %arg11[%dma_start3A_167, %dma_start3A_173] : memref<2x128xf32, #tpu.memory_space<vmem>> -> memref<1x128xf32, #tpu.memory_space<vmem>>
      %dma_start3A_175 = tpu.memref_squeeze %dma_start3A_174 : memref<1x128xf32, #tpu.memory_space<vmem>> -> memref<128xf32, #tpu.memory_space<vmem>>
      tpu.enqueue_dma source(%dma_start3A_175 : memref<128xf32, #tpu.memory_space<vmem>>) target(%dma_start3A_172 : memref<128xf32, #tpu.memory_space<hbm>>) target_semaphore(%arg16 : memref<!tpu.dma_semaphore, #tpu.memory_space<semaphore_mem>>)
      %mul3A_176 = arith.constant 2 : i32
      %mul3A_177 = arith.muli %scan3A_118, %mul3A_176 : i32
      %add3A_178 = arith.constant 1 : i32
      %add3A_179 = arith.addi %mul3A_177, %add3A_178 : i32
      %dma_wait3A_180 = arith.constant 1 : i32
      %dma_wait3A_181 = arith.constant 0 : i32
      %dma_wait3A_182 = arith.constant 1 : i32
      %dma_wait3A_183 = arith.constant 0 : i32
      %dma_wait3A_184 = arith.constant 0 : i32
      %dma_wait3A_185 = tpu.memref_slice %arg9[%dma_wait3A_182, %dma_wait3A_183, %dma_wait3A_184] : memref<2x128x32xi32, #tpu.memory_space<vmem>> -> memref<1x128x32xi32, #tpu.memory_space<vmem>>
      %dma_wait3A_186 = tpu.memref_squeeze %dma_wait3A_185 : memref<1x128x32xi32, #tpu.memory_space<vmem>> -> memref<128x32xi32, #tpu.memory_space<vmem>>
      %dma_wait3A_187 = arith.constant 0 : i32
      %dma_wait3A_188 = tpu.memref_slice %arg8[%dma_wait3A_180, %dma_wait3A_181, %dma_wait3A_187] : memref<2x3x128xi32, #tpu.memory_space<vmem>> -> memref<1x1x128xi32, #tpu.memory_space<vmem>>
      %dma_wait3A_189 = tpu.memref_squeeze %dma_wait3A_188 : memref<1x1x128xi32, #tpu.memory_space<vmem>> -> memref<128xi32, #tpu.memory_space<vmem>>
      %dma_wait3A_190 = arith.constant 0 : i32
      %dma_wait3A_191 = arith.constant 0 : i32
      %dma_wait3A_192 = tpu.memref_slice %arg6[%dma_wait3A_190, %dma_wait3A_191] : memref<50048x32xi32, #tpu.memory_space<vmem_shared>> -> memref<50048x32xi32, #tpu.memory_space<vmem_shared>>
      tpu.wait_indirect_dma semaphore(%arg15 : memref<!tpu.dma_semaphore, #tpu.memory_space<semaphore_mem>>) src(%dma_wait3A_192 : memref<50048x32xi32, #tpu.memory_space<vmem_shared>>) dst(%dma_wait3A_186 : memref<128x32xi32, #tpu.memory_space<vmem>>)
      %dma_wait3A_193 = arith.constant 1 : i32
      %dma_wait3A_194 = arith.constant 2 : i32
      %dma_wait3A_195 = arith.constant 1 : i32
      %dma_wait3A_196 = arith.constant 0 : i32
      %dma_wait3A_197 = arith.constant 0 : i32
      %dma_wait3A_198 = tpu.memref_slice %arg10[%dma_wait3A_195, %dma_wait3A_196, %dma_wait3A_197] : memref<2x128x32xi32, #tpu.memory_space<vmem>> -> memref<1x128x32xi32, #tpu.memory_space<vmem>>
      %dma_wait3A_199 = tpu.memref_squeeze %dma_wait3A_198 : memref<1x128x32xi32, #tpu.memory_space<vmem>> -> memref<128x32xi32, #tpu.memory_space<vmem>>
      %dma_wait3A_200 = arith.constant 0 : i32
      %dma_wait3A_201 = tpu.memref_slice %arg8[%dma_wait3A_193, %dma_wait3A_194, %dma_wait3A_200] : memref<2x3x128xi32, #tpu.memory_space<vmem>> -> memref<1x1x128xi32, #tpu.memory_space<vmem>>
      %dma_wait3A_202 = tpu.memref_squeeze %dma_wait3A_201 : memref<1x1x128xi32, #tpu.memory_space<vmem>> -> memref<128xi32, #tpu.memory_space<vmem>>
      %dma_wait3A_203 = arith.constant 0 : i32
      %dma_wait3A_204 = arith.constant 0 : i32
      %dma_wait3A_205 = tpu.memref_slice %arg6[%dma_wait3A_203, %dma_wait3A_204] : memref<50048x32xi32, #tpu.memory_space<vmem_shared>> -> memref<50048x32xi32, #tpu.memory_space<vmem_shared>>
      tpu.wait_indirect_dma semaphore(%arg15 : memref<!tpu.dma_semaphore, #tpu.memory_space<semaphore_mem>>) src(%dma_wait3A_205 : memref<50048x32xi32, #tpu.memory_space<vmem_shared>>) dst(%dma_wait3A_199 : memref<128x32xi32, #tpu.memory_space<vmem>>)
      %add3A_206 = arith.constant 1 : i32
      %add3A_207 = arith.addi %add3A_179, %add3A_206 : i32
      %lt3A_208 = arith.constant 196 : i32
      %lt3A_209 = arith.cmpi slt, %add3A_207, %lt3A_208 : i32
      %convert_element_type3A_210 = arith.extui %lt3A_209 : i1 to i32
      %cond3A_211 = arith.constant 0 : i32
      %cond3A_212 = arith.cmpi ne, %convert_element_type3A_210, %cond3A_211 : i32
      scf.if %cond3A_212 {
        %dma_wait3A_240 = arith.constant 0 : i32
        %dma_wait3A_241 = arith.constant 0 : i32
        %dma_wait3A_242 = arith.constant 0 : i32
        %dma_wait3A_243 = arith.constant 0 : i32
        %dma_wait3A_244 = tpu.memref_slice %arg8[%dma_wait3A_241, %dma_wait3A_242, %dma_wait3A_243] : memref<2x3x128xi32, #tpu.memory_space<vmem>> -> memref<1x3x128xi32, #tpu.memory_space<vmem>>
        %dma_wait3A_245 = tpu.memref_squeeze %dma_wait3A_244 : memref<1x3x128xi32, #tpu.memory_space<vmem>> -> memref<3x128xi32, #tpu.memory_space<vmem>>
        %dma_wait3A_246 = arith.constant 0 : i32
        %dma_wait3A_247 = arith.constant 0 : i32
        %dma_wait3A_248 = tpu.memref_slice %arg4[%dma_wait3A_240, %dma_wait3A_246, %dma_wait3A_247] : memref<6272x3x128xi32, #tpu.memory_space<hbm>> -> memref<1x3x128xi32, #tpu.memory_space<hbm>>
        %dma_wait3A_249 = tpu.memref_squeeze %dma_wait3A_248 : memref<1x3x128xi32, #tpu.memory_space<hbm>> -> memref<3x128xi32, #tpu.memory_space<hbm>>
        %dma_wait3A_250 = arith.constant 0 : i32
        %dma_wait3A_251 = arith.constant 0 : i32
        %dma_wait3A_252 = tpu.memref_slice %arg8[%dma_wait3A_241, %dma_wait3A_250, %dma_wait3A_251] : memref<2x3x128xi32, #tpu.memory_space<vmem>> -> memref<1x3x128xi32, #tpu.memory_space<vmem>>
        %dma_wait3A_253 = tpu.memref_squeeze %dma_wait3A_252 : memref<1x3x128xi32, #tpu.memory_space<vmem>> -> memref<3x128xi32, #tpu.memory_space<vmem>>
        %dma_wait3A_254 = arith.constant 0 : i32
        %dma_wait3A_255 = arith.constant 0 : i32
        %dma_wait3A_256 = tpu.memref_slice %arg4[%dma_wait3A_240, %dma_wait3A_254, %dma_wait3A_255] : memref<6272x3x128xi32, #tpu.memory_space<hbm>> -> memref<1x3x128xi32, #tpu.memory_space<hbm>>
        %dma_wait3A_257 = tpu.memref_squeeze %dma_wait3A_256 : memref<1x3x128xi32, #tpu.memory_space<hbm>> -> memref<3x128xi32, #tpu.memory_space<hbm>>
        tpu.wait_dma2 semaphore(%arg12 : memref<!tpu.dma_semaphore, #tpu.memory_space<semaphore_mem>>) src(%dma_wait3A_257 : memref<3x128xi32, #tpu.memory_space<hbm>>) dst(%dma_wait3A_253 : memref<3x128xi32, #tpu.memory_space<vmem>>)
        %dma_start3A_258 = arith.constant 0 : i32
        %dma_start3A_259 = arith.constant 0 : i32
        %dma_start3A_260 = arith.constant 0 : i32
        %dma_start3A_261 = arith.constant 0 : i32
        %dma_start3A_262 = arith.constant 0 : i32
        %dma_start3A_263 = tpu.memref_slice %arg9[%dma_start3A_260, %dma_start3A_261, %dma_start3A_262] : memref<2x128x32xi32, #tpu.memory_space<vmem>> -> memref<1x128x32xi32, #tpu.memory_space<vmem>>
        %dma_start3A_264 = tpu.memref_squeeze %dma_start3A_263 : memref<1x128x32xi32, #tpu.memory_space<vmem>> -> memref<128x32xi32, #tpu.memory_space<vmem>>
        %dma_start3A_265 = arith.constant 0 : i32
        %dma_start3A_266 = tpu.memref_slice %arg8[%dma_start3A_258, %dma_start3A_259, %dma_start3A_265] : memref<2x3x128xi32, #tpu.memory_space<vmem>> -> memref<1x1x128xi32, #tpu.memory_space<vmem>>
        %dma_start3A_267 = tpu.memref_squeeze %dma_start3A_266 : memref<1x1x128xi32, #tpu.memory_space<vmem>> -> memref<128xi32, #tpu.memory_space<vmem>>
        %dma_start3A_268 = arith.constant 0 : i32
        %dma_start3A_269 = arith.constant 0 : i32
        %dma_start3A_270 = tpu.memref_slice %arg6[%dma_start3A_268, %dma_start3A_269] : memref<50048x32xi32, #tpu.memory_space<vmem_shared>> -> memref<50048x32xi32, #tpu.memory_space<vmem_shared>>
        tpu.enqueue_indirect_dma source(%dma_start3A_270 : memref<50048x32xi32, #tpu.memory_space<vmem_shared>>) target(%dma_start3A_264 : memref<128x32xi32, #tpu.memory_space<vmem>>) offsets(%dma_start3A_267 : memref<128xi32, #tpu.memory_space<vmem>>) semaphore(%arg14 : memref<!tpu.dma_semaphore, #tpu.memory_space<semaphore_mem>>)
        %dma_start3A_271 = arith.constant 0 : i32
        %dma_start3A_272 = arith.constant 2 : i32
        %dma_start3A_273 = arith.constant 0 : i32
        %dma_start3A_274 = arith.constant 0 : i32
        %dma_start3A_275 = arith.constant 0 : i32
        %dma_start3A_276 = tpu.memref_slice %arg10[%dma_start3A_273, %dma_start3A_274, %dma_start3A_275] : memref<2x128x32xi32, #tpu.memory_space<vmem>> -> memref<1x128x32xi32, #tpu.memory_space<vmem>>
        %dma_start3A_277 = tpu.memref_squeeze %dma_start3A_276 : memref<1x128x32xi32, #tpu.memory_space<vmem>> -> memref<128x32xi32, #tpu.memory_space<vmem>>
        %dma_start3A_278 = arith.constant 0 : i32
        %dma_start3A_279 = tpu.memref_slice %arg8[%dma_start3A_271, %dma_start3A_272, %dma_start3A_278] : memref<2x3x128xi32, #tpu.memory_space<vmem>> -> memref<1x1x128xi32, #tpu.memory_space<vmem>>
        %dma_start3A_280 = tpu.memref_squeeze %dma_start3A_279 : memref<1x1x128xi32, #tpu.memory_space<vmem>> -> memref<128xi32, #tpu.memory_space<vmem>>
        %dma_start3A_281 = arith.constant 0 : i32
        %dma_start3A_282 = arith.constant 0 : i32
        %dma_start3A_283 = tpu.memref_slice %arg6[%dma_start3A_281, %dma_start3A_282] : memref<50048x32xi32, #tpu.memory_space<vmem_shared>> -> memref<50048x32xi32, #tpu.memory_space<vmem_shared>>
        tpu.enqueue_indirect_dma source(%dma_start3A_283 : memref<50048x32xi32, #tpu.memory_space<vmem_shared>>) target(%dma_start3A_277 : memref<128x32xi32, #tpu.memory_space<vmem>>) offsets(%dma_start3A_280 : memref<128xi32, #tpu.memory_space<vmem>>) semaphore(%arg14 : memref<!tpu.dma_semaphore, #tpu.memory_space<semaphore_mem>>)
      } else {
      }
      %ge3A_213 = arith.constant 2 : i32
      %ge3A_214 = arith.cmpi sge, %add3A_179, %ge3A_213 : i32
      %convert_element_type3A_215 = arith.extui %ge3A_214 : i1 to i32
      %cond3A_216 = arith.constant 0 : i32
      %cond3A_217 = arith.cmpi ne, %convert_element_type3A_215, %cond3A_216 : i32
      scf.if %cond3A_217 {
        %sub3A = arith.constant 2 : i32
        %sub3A_240 = arith.subi %add3A_179, %sub3A : i32
        %add3A_241 = arith.addi %mul3A_2, %sub3A_240 : i32
        %mul3A_242 = arith.constant 128 : i32
        %mul3A_243 = arith.muli %add3A_241, %mul3A_242 : i32
        %dma_wait3A_244 = arith.constant 1 : i32
        %dma_wait3A_245 = arith.constant 0 : i32
        %dma_wait3A_246 = tpu.memref_slice %arg11[%dma_wait3A_244, %dma_wait3A_245] : memref<2x128xf32, #tpu.memory_space<vmem>> -> memref<1x128xf32, #tpu.memory_space<vmem>>
        %dma_wait3A_247 = tpu.memref_squeeze %dma_wait3A_246 : memref<1x128xf32, #tpu.memory_space<vmem>> -> memref<128xf32, #tpu.memory_space<vmem>>
        %dma_wait3A_248 = tpu.memref_slice %arg5[%mul3A_243] : memref<802816xf32, #tpu.memory_space<hbm>> -> memref<128xf32, #tpu.memory_space<hbm>>
        %dma_wait3A_249 = tpu.memref_slice %arg5[%mul3A_243] : memref<802816xf32, #tpu.memory_space<hbm>> -> memref<128xf32, #tpu.memory_space<hbm>>
        %dma_wait3A_250 = arith.constant 0 : i32
        %dma_wait3A_251 = tpu.memref_slice %arg11[%dma_wait3A_244, %dma_wait3A_250] : memref<2x128xf32, #tpu.memory_space<vmem>> -> memref<1x128xf32, #tpu.memory_space<vmem>>
        %dma_wait3A_252 = tpu.memref_squeeze %dma_wait3A_251 : memref<1x128xf32, #tpu.memory_space<vmem>> -> memref<128xf32, #tpu.memory_space<vmem>>
        tpu.wait_dma2 semaphore(%arg17 : memref<!tpu.dma_semaphore, #tpu.memory_space<semaphore_mem>>) src(%dma_wait3A_252 : memref<128xf32, #tpu.memory_space<vmem>>) dst(%dma_wait3A_249 : memref<128xf32, #tpu.memory_space<hbm>>)
      } else {
      }
      %parallel_loop3A_218 = arith.constant 0 : i32
      %parallel_loop3A_219 = arith.constant 8 : i32
      %parallel_loop3A_220 = arith.constant 1 : i32
      scf.for %parallel_loop3A_240 = %parallel_loop3A_218 to %parallel_loop3A_219 step %parallel_loop3A_220  : i32 {
        %parallel_loop3A_241 = arith.constant 16 : i32
        %parallel_loop3A_242 = arith.muli %parallel_loop3A_240, %parallel_loop3A_241 : i32
        %parallel_loop3A_243 = tpu.iota {dimensions = array<i32: 0>} : vector<16xi32>
        %parallel_loop3A_244 = vector.broadcast %parallel_loop3A_242 : i32 to vector<16xi32>
        %parallel_loop3A_245 = arith.addi %parallel_loop3A_244, %parallel_loop3A_243 : vector<16xi32>
        %parallel_loop3A_246 = arith.constant 16 : i32
        %parallel_loop3A_247 = arith.muli %parallel_loop3A_240, %parallel_loop3A_246 : i32
        %parallel_loop3A_248 = arith.constant 1 : i32
        %parallel_loop3A_249 = arith.constant 1 : i32
        %parallel_loop3A_250 = arith.index_cast %parallel_loop3A_248 : i32 to index
        %parallel_loop3A_251 = arith.index_cast %parallel_loop3A_249 : i32 to index
        %parallel_loop3A_252 = arith.index_cast %parallel_loop3A_247 : i32 to index
        %parallel_loop3A_253 = tpu.vector_load %arg8[%parallel_loop3A_250, %parallel_loop3A_251, %parallel_loop3A_252] {strides = array<i32>} : memref<2x3x128xi32, #tpu.memory_space<vmem>>, vector<16xi32>,
        %parallel_loop3A_254 = tpu.iota {dimensions = array<i32: 0>} : vector<16xi32>
        %parallel_loop3A_255 = arith.constant 0.000000e+00 : f32
        %parallel_loop3A_256 = vector.broadcast %parallel_loop3A_255 : f32 to vector<16xf32>
        %parallel_loop3A_257 = arith.constant 0 : i32
        %parallel_loop3A_258 = arith.constant 4 : i32
        %parallel_loop3A_259 = arith.addi %parallel_loop3A_257, %parallel_loop3A_258 : i32
        %parallel_loop3A_260 = arith.constant 1 : i32
        %parallel_loop3A_261:4 = scf.for %scan3A_272 = %parallel_loop3A_257 to %parallel_loop3A_259 step %parallel_loop3A_260 iter_args(%scan3A_273 = %parallel_loop3A_256, %scan3A_274 = %parallel_loop3A_256, %scan3A_275 = %parallel_loop3A_256, %scan3A_276 = %parallel_loop3A_256) -> (vector<16xf32>, vector<16xf32>, vector<16xf32>, vector<16xf32>)  : i32 {
          %parallel_loop3A_277 = arith.constant 8 : i32
          %parallel_loop3A_278 = arith.muli %scan3A_272, %parallel_loop3A_277 : i32
          %parallel_loop3A_279 = arith.constant 0 : i32
          %parallel_loop3A_280 = arith.addi %parallel_loop3A_278, %parallel_loop3A_279 : i32
          %parallel_loop3A_281 = vector.broadcast %parallel_loop3A_280 : i32 to vector<16xi32>
          %parallel_loop3A_282 = arith.addi %parallel_loop3A_254, %parallel_loop3A_281 : vector<16xi32>
          %parallel_loop3A_283 = arith.constant 31 : i32
          %parallel_loop3A_284 = vector.broadcast %parallel_loop3A_283 : i32 to vector<16xi32>
          %parallel_loop3A_285 = arith.andi %parallel_loop3A_282, %parallel_loop3A_284 : vector<16xi32>
          %parallel_loop3A_286 = arith.constant 1 : i32
          %parallel_loop3A_287 = arith.constant 0 : i32
          %parallel_loop3A_288 = arith.constant 0 : i32
          %parallel_loop3A_289 = tpu.memref_slice %arg9[%parallel_loop3A_286, %parallel_loop3A_287, %parallel_loop3A_288] : memref<2x128x32xi32, #tpu.memory_space<vmem>> -> memref<1x128x32xi32, #tpu.memory_space<vmem>>
          %parallel_loop3A_290 = tpu.memref_squeeze %parallel_loop3A_289 : memref<1x128x32xi32, #tpu.memory_space<vmem>> -> memref<128x32xi32, #tpu.memory_space<vmem>>
          %parallel_loop3A_291 = tpu.vector_load_idx %parallel_loop3A_290[%parallel_loop3A_245, %parallel_loop3A_285] : memref<128x32xi32, #tpu.memory_space<vmem>>[vector<16xi32>, vector<16xi32>], vector<16xi32>,
          %parallel_loop3A_292 = arith.constant 1 : i32
          %parallel_loop3A_293 = arith.constant 0 : i32
          %parallel_loop3A_294 = arith.constant 0 : i32
          %parallel_loop3A_295 = tpu.memref_slice %arg10[%parallel_loop3A_292, %parallel_loop3A_293, %parallel_loop3A_294] : memref<2x128x32xi32, #tpu.memory_space<vmem>> -> memref<1x128x32xi32, #tpu.memory_space<vmem>>
          %parallel_loop3A_296 = tpu.memref_squeeze %parallel_loop3A_295 : memref<1x128x32xi32, #tpu.memory_space<vmem>> -> memref<128x32xi32, #tpu.memory_space<vmem>>
          %parallel_loop3A_297 = tpu.vector_load_idx %parallel_loop3A_296[%parallel_loop3A_245, %parallel_loop3A_285] : memref<128x32xi32, #tpu.memory_space<vmem>>[vector<16xi32>, vector<16xi32>], vector<16xi32>,
          %parallel_loop3A_298 = tpu.vector_load_idx %arg7[%parallel_loop3A_253, %parallel_loop3A_285] : memref<100x32xi32, #tpu.memory_space<vmem>>[vector<16xi32>, vector<16xi32>], vector<16xi32>,
          %parallel_loop3A_299 = vector.bitcast %parallel_loop3A_291 : vector<16xi32> to vector<32xbf16>
          %parallel_loop3A_300 = vector.bitcast %parallel_loop3A_297 : vector<16xi32> to vector<32xbf16>
          %parallel_loop3A_301 = arith.mulf %parallel_loop3A_299, %parallel_loop3A_300 : vector<32xbf16>
          %parallel_loop3A_302 = vector.bitcast %parallel_loop3A_298 : vector<16xi32> to vector<32xbf16>
          %parallel_loop3A_303 = arith.mulf %parallel_loop3A_301, %parallel_loop3A_302 : vector<32xbf16>
          %parallel_loop3A_304 = vector.bitcast %parallel_loop3A_303 : vector<32xbf16> to vector<16xi32>
          %parallel_loop3A_305 = arith.constant 16 : i32
          %parallel_loop3A_306 = vector.broadcast %parallel_loop3A_305 : i32 to vector<16xi32>
          %parallel_loop3A_307 = arith.shli %parallel_loop3A_304, %parallel_loop3A_306 : vector<16xi32>
          %parallel_loop3A_308 = vector.bitcast %parallel_loop3A_307 : vector<16xi32> to vector<16xf32>
          %parallel_loop3A_309 = arith.andi %parallel_loop3A_304, %broadcast_in_dim3A_7 : vector<16xi32>
          %parallel_loop3A_310 = vector.bitcast %parallel_loop3A_309 : vector<16xi32> to vector<16xf32>
          %parallel_loop3A_311 = arith.addf %scan3A_273, %parallel_loop3A_308 : vector<16xf32>
          %parallel_loop3A_312 = arith.addf %scan3A_275, %parallel_loop3A_310 : vector<16xf32>
          %parallel_loop3A_313 = arith.constant 8 : i32
          %parallel_loop3A_314 = arith.muli %scan3A_272, %parallel_loop3A_313 : i32
          %parallel_loop3A_315 = arith.constant 1 : i32
          %parallel_loop3A_316 = arith.addi %parallel_loop3A_314, %parallel_loop3A_315 : i32
          %parallel_loop3A_317 = vector.broadcast %parallel_loop3A_316 : i32 to vector<16xi32>
          %parallel_loop3A_318 = arith.addi %parallel_loop3A_254, %parallel_loop3A_317 : vector<16xi32>
          %parallel_loop3A_319 = arith.constant 31 : i32
          %parallel_loop3A_320 = vector.broadcast %parallel_loop3A_319 : i32 to vector<16xi32>
          %parallel_loop3A_321 = arith.andi %parallel_loop3A_318, %parallel_loop3A_320 : vector<16xi32>
          %parallel_loop3A_322 = arith.constant 1 : i32
          %parallel_loop3A_323 = arith.constant 0 : i32
          %parallel_loop3A_324 = arith.constant 0 : i32
          %parallel_loop3A_325 = tpu.memref_slice %arg9[%parallel_loop3A_322, %parallel_loop3A_323, %parallel_loop3A_324] : memref<2x128x32xi32, #tpu.memory_space<vmem>> -> memref<1x128x32xi32, #tpu.memory_space<vmem>>
          %parallel_loop3A_326 = tpu.memref_squeeze %parallel_loop3A_325 : memref<1x128x32xi32, #tpu.memory_space<vmem>> -> memref<128x32xi32, #tpu.memory_space<vmem>>
          %parallel_loop3A_327 = tpu.vector_load_idx %parallel_loop3A_326[%parallel_loop3A_245, %parallel_loop3A_321] : memref<128x32xi32, #tpu.memory_space<vmem>>[vector<16xi32>, vector<16xi32>], vector<16xi32>,
          %parallel_loop3A_328 = arith.constant 1 : i32
          %parallel_loop3A_329 = arith.constant 0 : i32
          %parallel_loop3A_330 = arith.constant 0 : i32
          %parallel_loop3A_331 = tpu.memref_slice %arg10[%parallel_loop3A_328, %parallel_loop3A_329, %parallel_loop3A_330] : memref<2x128x32xi32, #tpu.memory_space<vmem>> -> memref<1x128x32xi32, #tpu.memory_space<vmem>>
          %parallel_loop3A_332 = tpu.memref_squeeze %parallel_loop3A_331 : memref<1x128x32xi32, #tpu.memory_space<vmem>> -> memref<128x32xi32, #tpu.memory_space<vmem>>
          %parallel_loop3A_333 = tpu.vector_load_idx %parallel_loop3A_332[%parallel_loop3A_245, %parallel_loop3A_321] : memref<128x32xi32, #tpu.memory_space<vmem>>[vector<16xi32>, vector<16xi32>], vector<16xi32>,
          %parallel_loop3A_334 = tpu.vector_load_idx %arg7[%parallel_loop3A_253, %parallel_loop3A_321] : memref<100x32xi32, #tpu.memory_space<vmem>>[vector<16xi32>, vector<16xi32>], vector<16xi32>,
          %parallel_loop3A_335 = vector.bitcast %parallel_loop3A_327 : vector<16xi32> to vector<32xbf16>
          %parallel_loop3A_336 = vector.bitcast %parallel_loop3A_333 : vector<16xi32> to vector<32xbf16>
          %parallel_loop3A_337 = arith.mulf %parallel_loop3A_335, %parallel_loop3A_336 : vector<32xbf16>
          %parallel_loop3A_338 = vector.bitcast %parallel_loop3A_334 : vector<16xi32> to vector<32xbf16>
          %parallel_loop3A_339 = arith.mulf %parallel_loop3A_337, %parallel_loop3A_338 : vector<32xbf16>
          %parallel_loop3A_340 = vector.bitcast %parallel_loop3A_339 : vector<32xbf16> to vector<16xi32>
          %parallel_loop3A_341 = arith.constant 16 : i32
          %parallel_loop3A_342 = vector.broadcast %parallel_loop3A_341 : i32 to vector<16xi32>
          %parallel_loop3A_343 = arith.shli %parallel_loop3A_340, %parallel_loop3A_342 : vector<16xi32>
          %parallel_loop3A_344 = vector.bitcast %parallel_loop3A_343 : vector<16xi32> to vector<16xf32>
          %parallel_loop3A_345 = arith.andi %parallel_loop3A_340, %broadcast_in_dim3A_7 : vector<16xi32>
          %parallel_loop3A_346 = vector.bitcast %parallel_loop3A_345 : vector<16xi32> to vector<16xf32>
          %parallel_loop3A_347 = arith.addf %scan3A_274, %parallel_loop3A_344 : vector<16xf32>
          %parallel_loop3A_348 = arith.addf %scan3A_276, %parallel_loop3A_346 : vector<16xf32>
          %parallel_loop3A_349 = arith.constant 8 : i32
          %parallel_loop3A_350 = arith.muli %scan3A_272, %parallel_loop3A_349 : i32
          %parallel_loop3A_351 = arith.constant 2 : i32
          %parallel_loop3A_352 = arith.addi %parallel_loop3A_350, %parallel_loop3A_351 : i32
          %parallel_loop3A_353 = vector.broadcast %parallel_loop3A_352 : i32 to vector<16xi32>
          %parallel_loop3A_354 = arith.addi %parallel_loop3A_254, %parallel_loop3A_353 : vector<16xi32>
          %parallel_loop3A_355 = arith.constant 31 : i32
          %parallel_loop3A_356 = vector.broadcast %parallel_loop3A_355 : i32 to vector<16xi32>
          %parallel_loop3A_357 = arith.andi %parallel_loop3A_354, %parallel_loop3A_356 : vector<16xi32>
          %parallel_loop3A_358 = arith.constant 1 : i32
          %parallel_loop3A_359 = arith.constant 0 : i32
          %parallel_loop3A_360 = arith.constant 0 : i32
          %parallel_loop3A_361 = tpu.memref_slice %arg9[%parallel_loop3A_358, %parallel_loop3A_359, %parallel_loop3A_360] : memref<2x128x32xi32, #tpu.memory_space<vmem>> -> memref<1x128x32xi32, #tpu.memory_space<vmem>>
          %parallel_loop3A_362 = tpu.memref_squeeze %parallel_loop3A_361 : memref<1x128x32xi32, #tpu.memory_space<vmem>> -> memref<128x32xi32, #tpu.memory_space<vmem>>
          %parallel_loop3A_363 = tpu.vector_load_idx %parallel_loop3A_362[%parallel_loop3A_245, %parallel_loop3A_357] : memref<128x32xi32, #tpu.memory_space<vmem>>[vector<16xi32>, vector<16xi32>], vector<16xi32>,
          %parallel_loop3A_364 = arith.constant 1 : i32
          %parallel_loop3A_365 = arith.constant 0 : i32
          %parallel_loop3A_366 = arith.constant 0 : i32
          %parallel_loop3A_367 = tpu.memref_slice %arg10[%parallel_loop3A_364, %parallel_loop3A_365, %parallel_loop3A_366] : memref<2x128x32xi32, #tpu.memory_space<vmem>> -> memref<1x128x32xi32, #tpu.memory_space<vmem>>
          %parallel_loop3A_368 = tpu.memref_squeeze %parallel_loop3A_367 : memref<1x128x32xi32, #tpu.memory_space<vmem>> -> memref<128x32xi32, #tpu.memory_space<vmem>>
          %parallel_loop3A_369 = tpu.vector_load_idx %parallel_loop3A_368[%parallel_loop3A_245, %parallel_loop3A_357] : memref<128x32xi32, #tpu.memory_space<vmem>>[vector<16xi32>, vector<16xi32>], vector<16xi32>,
          %parallel_loop3A_370 = tpu.vector_load_idx %arg7[%parallel_loop3A_253, %parallel_loop3A_357] : memref<100x32xi32, #tpu.memory_space<vmem>>[vector<16xi32>, vector<16xi32>], vector<16xi32>,
          %parallel_loop3A_371 = vector.bitcast %parallel_loop3A_363 : vector<16xi32> to vector<32xbf16>
          %parallel_loop3A_372 = vector.bitcast %parallel_loop3A_369 : vector<16xi32> to vector<32xbf16>
          %parallel_loop3A_373 = arith.mulf %parallel_loop3A_371, %parallel_loop3A_372 : vector<32xbf16>
          %parallel_loop3A_374 = vector.bitcast %parallel_loop3A_370 : vector<16xi32> to vector<32xbf16>
          %parallel_loop3A_375 = arith.mulf %parallel_loop3A_373, %parallel_loop3A_374 : vector<32xbf16>
          %parallel_loop3A_376 = vector.bitcast %parallel_loop3A_375 : vector<32xbf16> to vector<16xi32>
          %parallel_loop3A_377 = arith.constant 16 : i32
          %parallel_loop3A_378 = vector.broadcast %parallel_loop3A_377 : i32 to vector<16xi32>
          %parallel_loop3A_379 = arith.shli %parallel_loop3A_376, %parallel_loop3A_378 : vector<16xi32>
          %parallel_loop3A_380 = vector.bitcast %parallel_loop3A_379 : vector<16xi32> to vector<16xf32>
          %parallel_loop3A_381 = arith.andi %parallel_loop3A_376, %broadcast_in_dim3A_7 : vector<16xi32>
          %parallel_loop3A_382 = vector.bitcast %parallel_loop3A_381 : vector<16xi32> to vector<16xf32>
          %parallel_loop3A_383 = arith.addf %parallel_loop3A_311, %parallel_loop3A_380 : vector<16xf32>
          %parallel_loop3A_384 = arith.addf %parallel_loop3A_312, %parallel_loop3A_382 : vector<16xf32>
          %parallel_loop3A_385 = arith.constant 8 : i32
          %parallel_loop3A_386 = arith.muli %scan3A_272, %parallel_loop3A_385 : i32
          %parallel_loop3A_387 = arith.constant 3 : i32
          %parallel_loop3A_388 = arith.addi %parallel_loop3A_386, %parallel_loop3A_387 : i32
          %parallel_loop3A_389 = vector.broadcast %parallel_loop3A_388 : i32 to vector<16xi32>
          %parallel_loop3A_390 = arith.addi %parallel_loop3A_254, %parallel_loop3A_389 : vector<16xi32>
          %parallel_loop3A_391 = arith.constant 31 : i32
          %parallel_loop3A_392 = vector.broadcast %parallel_loop3A_391 : i32 to vector<16xi32>
          %parallel_loop3A_393 = arith.andi %parallel_loop3A_390, %parallel_loop3A_392 : vector<16xi32>
          %parallel_loop3A_394 = arith.constant 1 : i32
          %parallel_loop3A_395 = arith.constant 0 : i32
          %parallel_loop3A_396 = arith.constant 0 : i32
          %parallel_loop3A_397 = tpu.memref_slice %arg9[%parallel_loop3A_394, %parallel_loop3A_395, %parallel_loop3A_396] : memref<2x128x32xi32, #tpu.memory_space<vmem>> -> memref<1x128x32xi32, #tpu.memory_space<vmem>>
          %parallel_loop3A_398 = tpu.memref_squeeze %parallel_loop3A_397 : memref<1x128x32xi32, #tpu.memory_space<vmem>> -> memref<128x32xi32, #tpu.memory_space<vmem>>
          %parallel_loop3A_399 = tpu.vector_load_idx %parallel_loop3A_398[%parallel_loop3A_245, %parallel_loop3A_393] : memref<128x32xi32, #tpu.memory_space<vmem>>[vector<16xi32>, vector<16xi32>], vector<16xi32>,
          %parallel_loop3A_400 = arith.constant 1 : i32
          %parallel_loop3A_401 = arith.constant 0 : i32
          %parallel_loop3A_402 = arith.constant 0 : i32
          %parallel_loop3A_403 = tpu.memref_slice %arg10[%parallel_loop3A_400, %parallel_loop3A_401, %parallel_loop3A_402] : memref<2x128x32xi32, #tpu.memory_space<vmem>> -> memref<1x128x32xi32, #tpu.memory_space<vmem>>
          %parallel_loop3A_404 = tpu.memref_squeeze %parallel_loop3A_403 : memref<1x128x32xi32, #tpu.memory_space<vmem>> -> memref<128x32xi32, #tpu.memory_space<vmem>>
          %parallel_loop3A_405 = tpu.vector_load_idx %parallel_loop3A_404[%parallel_loop3A_245, %parallel_loop3A_393] : memref<128x32xi32, #tpu.memory_space<vmem>>[vector<16xi32>, vector<16xi32>], vector<16xi32>,
          %parallel_loop3A_406 = tpu.vector_load_idx %arg7[%parallel_loop3A_253, %parallel_loop3A_393] : memref<100x32xi32, #tpu.memory_space<vmem>>[vector<16xi32>, vector<16xi32>], vector<16xi32>,
          %parallel_loop3A_407 = vector.bitcast %parallel_loop3A_399 : vector<16xi32> to vector<32xbf16>
          %parallel_loop3A_408 = vector.bitcast %parallel_loop3A_405 : vector<16xi32> to vector<32xbf16>
          %parallel_loop3A_409 = arith.mulf %parallel_loop3A_407, %parallel_loop3A_408 : vector<32xbf16>
          %parallel_loop3A_410 = vector.bitcast %parallel_loop3A_406 : vector<16xi32> to vector<32xbf16>
          %parallel_loop3A_411 = arith.mulf %parallel_loop3A_409, %parallel_loop3A_410 : vector<32xbf16>
          %parallel_loop3A_412 = vector.bitcast %parallel_loop3A_411 : vector<32xbf16> to vector<16xi32>
          %parallel_loop3A_413 = arith.constant 16 : i32
          %parallel_loop3A_414 = vector.broadcast %parallel_loop3A_413 : i32 to vector<16xi32>
          %parallel_loop3A_415 = arith.shli %parallel_loop3A_412, %parallel_loop3A_414 : vector<16xi32>
          %parallel_loop3A_416 = vector.bitcast %parallel_loop3A_415 : vector<16xi32> to vector<16xf32>
          %parallel_loop3A_417 = arith.andi %parallel_loop3A_412, %broadcast_in_dim3A_7 : vector<16xi32>
          %parallel_loop3A_418 = vector.bitcast %parallel_loop3A_417 : vector<16xi32> to vector<16xf32>
          %parallel_loop3A_419 = arith.addf %parallel_loop3A_347, %parallel_loop3A_416 : vector<16xf32>
          %parallel_loop3A_420 = arith.addf %parallel_loop3A_348, %parallel_loop3A_418 : vector<16xf32>
          %parallel_loop3A_421 = arith.constant 8 : i32
          %parallel_loop3A_422 = arith.muli %scan3A_272, %parallel_loop3A_421 : i32
          %parallel_loop3A_423 = arith.constant 4 : i32
          %parallel_loop3A_424 = arith.addi %parallel_loop3A_422, %parallel_loop3A_423 : i32
          %parallel_loop3A_425 = vector.broadcast %parallel_loop3A_424 : i32 to vector<16xi32>
          %parallel_loop3A_426 = arith.addi %parallel_loop3A_254, %parallel_loop3A_425 : vector<16xi32>
          %parallel_loop3A_427 = arith.constant 31 : i32
          %parallel_loop3A_428 = vector.broadcast %parallel_loop3A_427 : i32 to vector<16xi32>
          %parallel_loop3A_429 = arith.andi %parallel_loop3A_426, %parallel_loop3A_428 : vector<16xi32>
          %parallel_loop3A_430 = arith.constant 1 : i32
          %parallel_loop3A_431 = arith.constant 0 : i32
          %parallel_loop3A_432 = arith.constant 0 : i32
          %parallel_loop3A_433 = tpu.memref_slice %arg9[%parallel_loop3A_430, %parallel_loop3A_431, %parallel_loop3A_432] : memref<2x128x32xi32, #tpu.memory_space<vmem>> -> memref<1x128x32xi32, #tpu.memory_space<vmem>>
          %parallel_loop3A_434 = tpu.memref_squeeze %parallel_loop3A_433 : memref<1x128x32xi32, #tpu.memory_space<vmem>> -> memref<128x32xi32, #tpu.memory_space<vmem>>
          %parallel_loop3A_435 = tpu.vector_load_idx %parallel_loop3A_434[%parallel_loop3A_245, %parallel_loop3A_429] : memref<128x32xi32, #tpu.memory_space<vmem>>[vector<16xi32>, vector<16xi32>], vector<16xi32>,
          %parallel_loop3A_436 = arith.constant 1 : i32
          %parallel_loop3A_437 = arith.constant 0 : i32
          %parallel_loop3A_438 = arith.constant 0 : i32
          %parallel_loop3A_439 = tpu.memref_slice %arg10[%parallel_loop3A_436, %parallel_loop3A_437, %parallel_loop3A_438] : memref<2x128x32xi32, #tpu.memory_space<vmem>> -> memref<1x128x32xi32, #tpu.memory_space<vmem>>
          %parallel_loop3A_440 = tpu.memref_squeeze %parallel_loop3A_439 : memref<1x128x32xi32, #tpu.memory_space<vmem>> -> memref<128x32xi32, #tpu.memory_space<vmem>>
          %parallel_loop3A_441 = tpu.vector_load_idx %parallel_loop3A_440[%parallel_loop3A_245, %parallel_loop3A_429] : memref<128x32xi32, #tpu.memory_space<vmem>>[vector<16xi32>, vector<16xi32>], vector<16xi32>,
          %parallel_loop3A_442 = tpu.vector_load_idx %arg7[%parallel_loop3A_253, %parallel_loop3A_429] : memref<100x32xi32, #tpu.memory_space<vmem>>[vector<16xi32>, vector<16xi32>], vector<16xi32>,
          %parallel_loop3A_443 = vector.bitcast %parallel_loop3A_435 : vector<16xi32> to vector<32xbf16>
          %parallel_loop3A_444 = vector.bitcast %parallel_loop3A_441 : vector<16xi32> to vector<32xbf16>
          %parallel_loop3A_445 = arith.mulf %parallel_loop3A_443, %parallel_loop3A_444 : vector<32xbf16>
          %parallel_loop3A_446 = vector.bitcast %parallel_loop3A_442 : vector<16xi32> to vector<32xbf16>
          %parallel_loop3A_447 = arith.mulf %parallel_loop3A_445, %parallel_loop3A_446 : vector<32xbf16>
          %parallel_loop3A_448 = vector.bitcast %parallel_loop3A_447 : vector<32xbf16> to vector<16xi32>
          %parallel_loop3A_449 = arith.constant 16 : i32
          %parallel_loop3A_450 = vector.broadcast %parallel_loop3A_449 : i32 to vector<16xi32>
          %parallel_loop3A_451 = arith.shli %parallel_loop3A_448, %parallel_loop3A_450 : vector<16xi32>
          %parallel_loop3A_452 = vector.bitcast %parallel_loop3A_451 : vector<16xi32> to vector<16xf32>
          %parallel_loop3A_453 = arith.andi %parallel_loop3A_448, %broadcast_in_dim3A_7 : vector<16xi32>
          %parallel_loop3A_454 = vector.bitcast %parallel_loop3A_453 : vector<16xi32> to vector<16xf32>
          %parallel_loop3A_455 = arith.addf %parallel_loop3A_383, %parallel_loop3A_452 : vector<16xf32>
          %parallel_loop3A_456 = arith.addf %parallel_loop3A_384, %parallel_loop3A_454 : vector<16xf32>
          %parallel_loop3A_457 = arith.constant 8 : i32
          %parallel_loop3A_458 = arith.muli %scan3A_272, %parallel_loop3A_457 : i32
          %parallel_loop3A_459 = arith.constant 5 : i32
          %parallel_loop3A_460 = arith.addi %parallel_loop3A_458, %parallel_loop3A_459 : i32
          %parallel_loop3A_461 = vector.broadcast %parallel_loop3A_460 : i32 to vector<16xi32>
          %parallel_loop3A_462 = arith.addi %parallel_loop3A_254, %parallel_loop3A_461 : vector<16xi32>
          %parallel_loop3A_463 = arith.constant 31 : i32
          %parallel_loop3A_464 = vector.broadcast %parallel_loop3A_463 : i32 to vector<16xi32>
          %parallel_loop3A_465 = arith.andi %parallel_loop3A_462, %parallel_loop3A_464 : vector<16xi32>
          %parallel_loop3A_466 = arith.constant 1 : i32
          %parallel_loop3A_467 = arith.constant 0 : i32
          %parallel_loop3A_468 = arith.constant 0 : i32
          %parallel_loop3A_469 = tpu.memref_slice %arg9[%parallel_loop3A_466, %parallel_loop3A_467, %parallel_loop3A_468] : memref<2x128x32xi32, #tpu.memory_space<vmem>> -> memref<1x128x32xi32, #tpu.memory_space<vmem>>
          %parallel_loop3A_470 = tpu.memref_squeeze %parallel_loop3A_469 : memref<1x128x32xi32, #tpu.memory_space<vmem>> -> memref<128x32xi32, #tpu.memory_space<vmem>>
          %parallel_loop3A_471 = tpu.vector_load_idx %parallel_loop3A_470[%parallel_loop3A_245, %parallel_loop3A_465] : memref<128x32xi32, #tpu.memory_space<vmem>>[vector<16xi32>, vector<16xi32>], vector<16xi32>,
          %parallel_loop3A_472 = arith.constant 1 : i32
          %parallel_loop3A_473 = arith.constant 0 : i32
          %parallel_loop3A_474 = arith.constant 0 : i32
          %parallel_loop3A_475 = tpu.memref_slice %arg10[%parallel_loop3A_472, %parallel_loop3A_473, %parallel_loop3A_474] : memref<2x128x32xi32, #tpu.memory_space<vmem>> -> memref<1x128x32xi32, #tpu.memory_space<vmem>>
          %parallel_loop3A_476 = tpu.memref_squeeze %parallel_loop3A_475 : memref<1x128x32xi32, #tpu.memory_space<vmem>> -> memref<128x32xi32, #tpu.memory_space<vmem>>
          %parallel_loop3A_477 = tpu.vector_load_idx %parallel_loop3A_476[%parallel_loop3A_245, %parallel_loop3A_465] : memref<128x32xi32, #tpu.memory_space<vmem>>[vector<16xi32>, vector<16xi32>], vector<16xi32>,
          %parallel_loop3A_478 = tpu.vector_load_idx %arg7[%parallel_loop3A_253, %parallel_loop3A_465] : memref<100x32xi32, #tpu.memory_space<vmem>>[vector<16xi32>, vector<16xi32>], vector<16xi32>,
          %parallel_loop3A_479 = vector.bitcast %parallel_loop3A_471 : vector<16xi32> to vector<32xbf16>
          %parallel_loop3A_480 = vector.bitcast %parallel_loop3A_477 : vector<16xi32> to vector<32xbf16>
          %parallel_loop3A_481 = arith.mulf %parallel_loop3A_479, %parallel_loop3A_480 : vector<32xbf16>
          %parallel_loop3A_482 = vector.bitcast %parallel_loop3A_478 : vector<16xi32> to vector<32xbf16>
          %parallel_loop3A_483 = arith.mulf %parallel_loop3A_481, %parallel_loop3A_482 : vector<32xbf16>
          %parallel_loop3A_484 = vector.bitcast %parallel_loop3A_483 : vector<32xbf16> to vector<16xi32>
          %parallel_loop3A_485 = arith.constant 16 : i32
          %parallel_loop3A_486 = vector.broadcast %parallel_loop3A_485 : i32 to vector<16xi32>
          %parallel_loop3A_487 = arith.shli %parallel_loop3A_484, %parallel_loop3A_486 : vector<16xi32>
          %parallel_loop3A_488 = vector.bitcast %parallel_loop3A_487 : vector<16xi32> to vector<16xf32>
          %parallel_loop3A_489 = arith.andi %parallel_loop3A_484, %broadcast_in_dim3A_7 : vector<16xi32>
          %parallel_loop3A_490 = vector.bitcast %parallel_loop3A_489 : vector<16xi32> to vector<16xf32>
          %parallel_loop3A_491 = arith.addf %parallel_loop3A_419, %parallel_loop3A_488 : vector<16xf32>
          %parallel_loop3A_492 = arith.addf %parallel_loop3A_420, %parallel_loop3A_490 : vector<16xf32>
          %parallel_loop3A_493 = arith.constant 8 : i32
          %parallel_loop3A_494 = arith.muli %scan3A_272, %parallel_loop3A_493 : i32
          %parallel_loop3A_495 = arith.constant 6 : i32
          %parallel_loop3A_496 = arith.addi %parallel_loop3A_494, %parallel_loop3A_495 : i32
          %parallel_loop3A_497 = vector.broadcast %parallel_loop3A_496 : i32 to vector<16xi32>
          %parallel_loop3A_498 = arith.addi %parallel_loop3A_254, %parallel_loop3A_497 : vector<16xi32>
          %parallel_loop3A_499 = arith.constant 31 : i32
          %parallel_loop3A_500 = vector.broadcast %parallel_loop3A_499 : i32 to vector<16xi32>
          %parallel_loop3A_501 = arith.andi %parallel_loop3A_498, %parallel_loop3A_500 : vector<16xi32>
          %parallel_loop3A_502 = arith.constant 1 : i32
          %parallel_loop3A_503 = arith.constant 0 : i32
          %parallel_loop3A_504 = arith.constant 0 : i32
          %parallel_loop3A_505 = tpu.memref_slice %arg9[%parallel_loop3A_502, %parallel_loop3A_503, %parallel_loop3A_504] : memref<2x128x32xi32, #tpu.memory_space<vmem>> -> memref<1x128x32xi32, #tpu.memory_space<vmem>>
          %parallel_loop3A_506 = tpu.memref_squeeze %parallel_loop3A_505 : memref<1x128x32xi32, #tpu.memory_space<vmem>> -> memref<128x32xi32, #tpu.memory_space<vmem>>
          %parallel_loop3A_507 = tpu.vector_load_idx %parallel_loop3A_506[%parallel_loop3A_245, %parallel_loop3A_501] : memref<128x32xi32, #tpu.memory_space<vmem>>[vector<16xi32>, vector<16xi32>], vector<16xi32>,
          %parallel_loop3A_508 = arith.constant 1 : i32
          %parallel_loop3A_509 = arith.constant 0 : i32
          %parallel_loop3A_510 = arith.constant 0 : i32
          %parallel_loop3A_511 = tpu.memref_slice %arg10[%parallel_loop3A_508, %parallel_loop3A_509, %parallel_loop3A_510] : memref<2x128x32xi32, #tpu.memory_space<vmem>> -> memref<1x128x32xi32, #tpu.memory_space<vmem>>
          %parallel_loop3A_512 = tpu.memref_squeeze %parallel_loop3A_511 : memref<1x128x32xi32, #tpu.memory_space<vmem>> -> memref<128x32xi32, #tpu.memory_space<vmem>>
          %parallel_loop3A_513 = tpu.vector_load_idx %parallel_loop3A_512[%parallel_loop3A_245, %parallel_loop3A_501] : memref<128x32xi32, #tpu.memory_space<vmem>>[vector<16xi32>, vector<16xi32>], vector<16xi32>,
          %parallel_loop3A_514 = tpu.vector_load_idx %arg7[%parallel_loop3A_253, %parallel_loop3A_501] : memref<100x32xi32, #tpu.memory_space<vmem>>[vector<16xi32>, vector<16xi32>], vector<16xi32>,
          %parallel_loop3A_515 = vector.bitcast %parallel_loop3A_507 : vector<16xi32> to vector<32xbf16>
          %parallel_loop3A_516 = vector.bitcast %parallel_loop3A_513 : vector<16xi32> to vector<32xbf16>
          %parallel_loop3A_517 = arith.mulf %parallel_loop3A_515, %parallel_loop3A_516 : vector<32xbf16>
          %parallel_loop3A_518 = vector.bitcast %parallel_loop3A_514 : vector<16xi32> to vector<32xbf16>
          %parallel_loop3A_519 = arith.mulf %parallel_loop3A_517, %parallel_loop3A_518 : vector<32xbf16>
          %parallel_loop3A_520 = vector.bitcast %parallel_loop3A_519 : vector<32xbf16> to vector<16xi32>
          %parallel_loop3A_521 = arith.constant 16 : i32
          %parallel_loop3A_522 = vector.broadcast %parallel_loop3A_521 : i32 to vector<16xi32>
          %parallel_loop3A_523 = arith.shli %parallel_loop3A_520, %parallel_loop3A_522 : vector<16xi32>
          %parallel_loop3A_524 = vector.bitcast %parallel_loop3A_523 : vector<16xi32> to vector<16xf32>
          %parallel_loop3A_525 = arith.andi %parallel_loop3A_520, %broadcast_in_dim3A_7 : vector<16xi32>
          %parallel_loop3A_526 = vector.bitcast %parallel_loop3A_525 : vector<16xi32> to vector<16xf32>
          %parallel_loop3A_527 = arith.addf %parallel_loop3A_455, %parallel_loop3A_524 : vector<16xf32>
          %parallel_loop3A_528 = arith.addf %parallel_loop3A_456, %parallel_loop3A_526 : vector<16xf32>
          %parallel_loop3A_529 = arith.constant 8 : i32
          %parallel_loop3A_530 = arith.muli %scan3A_272, %parallel_loop3A_529 : i32
          %parallel_loop3A_531 = arith.constant 7 : i32
          %parallel_loop3A_532 = arith.addi %parallel_loop3A_530, %parallel_loop3A_531 : i32
          %parallel_loop3A_533 = vector.broadcast %parallel_loop3A_532 : i32 to vector<16xi32>
          %parallel_loop3A_534 = arith.addi %parallel_loop3A_254, %parallel_loop3A_533 : vector<16xi32>
          %parallel_loop3A_535 = arith.constant 31 : i32
          %parallel_loop3A_536 = vector.broadcast %parallel_loop3A_535 : i32 to vector<16xi32>
          %parallel_loop3A_537 = arith.andi %parallel_loop3A_534, %parallel_loop3A_536 : vector<16xi32>
          %parallel_loop3A_538 = arith.constant 1 : i32
          %parallel_loop3A_539 = arith.constant 0 : i32
          %parallel_loop3A_540 = arith.constant 0 : i32
          %parallel_loop3A_541 = tpu.memref_slice %arg9[%parallel_loop3A_538, %parallel_loop3A_539, %parallel_loop3A_540] : memref<2x128x32xi32, #tpu.memory_space<vmem>> -> memref<1x128x32xi32, #tpu.memory_space<vmem>>
          %parallel_loop3A_542 = tpu.memref_squeeze %parallel_loop3A_541 : memref<1x128x32xi32, #tpu.memory_space<vmem>> -> memref<128x32xi32, #tpu.memory_space<vmem>>
          %parallel_loop3A_543 = tpu.vector_load_idx %parallel_loop3A_542[%parallel_loop3A_245, %parallel_loop3A_537] : memref<128x32xi32, #tpu.memory_space<vmem>>[vector<16xi32>, vector<16xi32>], vector<16xi32>,
          %parallel_loop3A_544 = arith.constant 1 : i32
          %parallel_loop3A_545 = arith.constant 0 : i32
          %parallel_loop3A_546 = arith.constant 0 : i32
          %parallel_loop3A_547 = tpu.memref_slice %arg10[%parallel_loop3A_544, %parallel_loop3A_545, %parallel_loop3A_546] : memref<2x128x32xi32, #tpu.memory_space<vmem>> -> memref<1x128x32xi32, #tpu.memory_space<vmem>>
          %parallel_loop3A_548 = tpu.memref_squeeze %parallel_loop3A_547 : memref<1x128x32xi32, #tpu.memory_space<vmem>> -> memref<128x32xi32, #tpu.memory_space<vmem>>
          %parallel_loop3A_549 = tpu.vector_load_idx %parallel_loop3A_548[%parallel_loop3A_245, %parallel_loop3A_537] : memref<128x32xi32, #tpu.memory_space<vmem>>[vector<16xi32>, vector<16xi32>], vector<16xi32>,
          %parallel_loop3A_550 = tpu.vector_load_idx %arg7[%parallel_loop3A_253, %parallel_loop3A_537] : memref<100x32xi32, #tpu.memory_space<vmem>>[vector<16xi32>, vector<16xi32>], vector<16xi32>,
          %parallel_loop3A_551 = vector.bitcast %parallel_loop3A_543 : vector<16xi32> to vector<32xbf16>
          %parallel_loop3A_552 = vector.bitcast %parallel_loop3A_549 : vector<16xi32> to vector<32xbf16>
          %parallel_loop3A_553 = arith.mulf %parallel_loop3A_551, %parallel_loop3A_552 : vector<32xbf16>
          %parallel_loop3A_554 = vector.bitcast %parallel_loop3A_550 : vector<16xi32> to vector<32xbf16>
          %parallel_loop3A_555 = arith.mulf %parallel_loop3A_553, %parallel_loop3A_554 : vector<32xbf16>
          %parallel_loop3A_556 = vector.bitcast %parallel_loop3A_555 : vector<32xbf16> to vector<16xi32>
          %parallel_loop3A_557 = arith.constant 16 : i32
          %parallel_loop3A_558 = vector.broadcast %parallel_loop3A_557 : i32 to vector<16xi32>
          %parallel_loop3A_559 = arith.shli %parallel_loop3A_556, %parallel_loop3A_558 : vector<16xi32>
          %parallel_loop3A_560 = vector.bitcast %parallel_loop3A_559 : vector<16xi32> to vector<16xf32>
          %parallel_loop3A_561 = arith.andi %parallel_loop3A_556, %broadcast_in_dim3A_7 : vector<16xi32>
          %parallel_loop3A_562 = vector.bitcast %parallel_loop3A_561 : vector<16xi32> to vector<16xf32>
          %parallel_loop3A_563 = arith.addf %parallel_loop3A_491, %parallel_loop3A_560 : vector<16xf32>
          %parallel_loop3A_564 = arith.addf %parallel_loop3A_492, %parallel_loop3A_562 : vector<16xf32>
          scf.yield %parallel_loop3A_527, %parallel_loop3A_563, %parallel_loop3A_528, %parallel_loop3A_564 : vector<16xf32>, vector<16xf32>, vector<16xf32>, vector<16xf32>
        }
        %parallel_loop3A_262 = arith.constant 4 : i32
        %parallel_loop3A_263 = arith.addf %parallel_loop3A_261#0, %parallel_loop3A_261#1 : vector<16xf32>
        %parallel_loop3A_264 = arith.addf %parallel_loop3A_261#2, %parallel_loop3A_261#3 : vector<16xf32>
        %parallel_loop3A_265 = arith.addf %parallel_loop3A_263, %parallel_loop3A_264 : vector<16xf32>
        %parallel_loop3A_266 = arith.constant 16 : i32
        %parallel_loop3A_267 = arith.muli %parallel_loop3A_240, %parallel_loop3A_266 : i32
        %parallel_loop3A_268 = arith.constant 1 : i32
        %parallel_loop3A_269 = arith.index_cast %parallel_loop3A_268 : i32 to index
        %parallel_loop3A_270 = arith.index_cast %parallel_loop3A_267 : i32 to index
        %parallel_loop3A_271 = tpu.vector_load %arg11[%parallel_loop3A_269, %parallel_loop3A_270] {strides = array<i32>} : memref<2x128xf32, #tpu.memory_space<vmem>>, vector<16xf32>,
        tpu.vector_store %arg11[%parallel_loop3A_269, %parallel_loop3A_270], %parallel_loop3A_265 {strides = array<i32>} : memref<2x128xf32, #tpu.memory_space<vmem>>, vector<16xf32>,
      } {sc.loop_unroll_factor = 2 : i64, sc.parallel_access}
      %add3A_221 = arith.constant 2 : i32
      %add3A_222 = arith.addi %add3A_179, %add3A_221 : i32
      %lt3A_223 = arith.constant 196 : i32
      %lt3A_224 = arith.cmpi slt, %add3A_222, %lt3A_223 : i32
      %convert_element_type3A_225 = arith.extui %lt3A_224 : i1 to i32
      %cond3A_226 = arith.constant 0 : i32
      %cond3A_227 = arith.cmpi ne, %convert_element_type3A_225, %cond3A_226 : i32
      scf.if %cond3A_227 {
        %add3A_240 = arith.constant 2 : i32
        %add3A_241 = arith.addi %add3A_179, %add3A_240 : i32
        %add3A_242 = arith.addi %mul3A_2, %add3A_241 : i32
        %dma_start3A_243 = arith.constant 1 : i32
        %dma_start3A_244 = arith.constant 0 : i32
        %dma_start3A_245 = arith.constant 0 : i32
        %dma_start3A_246 = tpu.memref_slice %arg8[%dma_start3A_243, %dma_start3A_244, %dma_start3A_245] : memref<2x3x128xi32, #tpu.memory_space<vmem>> -> memref<1x3x128xi32, #tpu.memory_space<vmem>>
        %dma_start3A_247 = tpu.memref_squeeze %dma_start3A_246 : memref<1x3x128xi32, #tpu.memory_space<vmem>> -> memref<3x128xi32, #tpu.memory_space<vmem>>
        %dma_start3A_248 = arith.constant 0 : i32
        %dma_start3A_249 = arith.constant 0 : i32
        %dma_start3A_250 = tpu.memref_slice %arg4[%add3A_242, %dma_start3A_248, %dma_start3A_249] : memref<6272x3x128xi32, #tpu.memory_space<hbm>> -> memref<1x3x128xi32, #tpu.memory_space<hbm>>
        %dma_start3A_251 = tpu.memref_squeeze %dma_start3A_250 : memref<1x3x128xi32, #tpu.memory_space<hbm>> -> memref<3x128xi32, #tpu.memory_space<hbm>>
        %dma_start3A_252 = arith.constant 0 : i32
        %dma_start3A_253 = arith.constant 0 : i32
        %dma_start3A_254 = tpu.memref_slice %arg8[%dma_start3A_243, %dma_start3A_252, %dma_start3A_253] : memref<2x3x128xi32, #tpu.memory_space<vmem>> -> memref<1x3x128xi32, #tpu.memory_space<vmem>>
        %dma_start3A_255 = tpu.memref_squeeze %dma_start3A_254 : memref<1x3x128xi32, #tpu.memory_space<vmem>> -> memref<3x128xi32, #tpu.memory_space<vmem>>
        %dma_start3A_256 = arith.constant 0 : i32
        %dma_start3A_257 = arith.constant 0 : i32
        %dma_start3A_258 = tpu.memref_slice %arg4[%add3A_242, %dma_start3A_256, %dma_start3A_257] : memref<6272x3x128xi32, #tpu.memory_space<hbm>> -> memref<1x3x128xi32, #tpu.memory_space<hbm>>
        %dma_start3A_259 = tpu.memref_squeeze %dma_start3A_258 : memref<1x3x128xi32, #tpu.memory_space<hbm>> -> memref<3x128xi32, #tpu.memory_space<hbm>>
        tpu.enqueue_dma source(%dma_start3A_259 : memref<3x128xi32, #tpu.memory_space<hbm>>) target(%dma_start3A_255 : memref<3x128xi32, #tpu.memory_space<vmem>>) target_semaphore(%arg13 : memref<!tpu.dma_semaphore, #tpu.memory_space<semaphore_mem>>)
      } else {
      }
      %add3A_228 = arith.addi %mul3A_2, %add3A_179 : i32
      %mul3A_229 = arith.constant 128 : i32
      %mul3A_230 = arith.muli %add3A_228, %mul3A_229 : i32
      %dma_start3A_231 = arith.constant 1 : i32
      %dma_start3A_232 = arith.constant 0 : i32
      %dma_start3A_233 = tpu.memref_slice %arg11[%dma_start3A_231, %dma_start3A_232] : memref<2x128xf32, #tpu.memory_space<vmem>> -> memref<1x128xf32, #tpu.memory_space<vmem>>
      %dma_start3A_234 = tpu.memref_squeeze %dma_start3A_233 : memref<1x128xf32, #tpu.memory_space<vmem>> -> memref<128xf32, #tpu.memory_space<vmem>>
      %dma_start3A_235 = tpu.memref_slice %arg5[%mul3A_230] : memref<802816xf32, #tpu.memory_space<hbm>> -> memref<128xf32, #tpu.memory_space<hbm>>
      %dma_start3A_236 = tpu.memref_slice %arg5[%mul3A_230] : memref<802816xf32, #tpu.memory_space<hbm>> -> memref<128xf32, #tpu.memory_space<hbm>>
      %dma_start3A_237 = arith.constant 0 : i32
      %dma_start3A_238 = tpu.memref_slice %arg11[%dma_start3A_231, %dma_start3A_237] : memref<2x128xf32, #tpu.memory_space<vmem>> -> memref<1x128xf32, #tpu.memory_space<vmem>>
      %dma_start3A_239 = tpu.memref_squeeze %dma_start3A_238 : memref<1x128xf32, #tpu.memory_space<vmem>> -> memref<128xf32, #tpu.memory_space<vmem>>
      tpu.enqueue_dma source(%dma_start3A_239 : memref<128xf32, #tpu.memory_space<vmem>>) target(%dma_start3A_236 : memref<128xf32, #tpu.memory_space<hbm>>) target_semaphore(%arg17 : memref<!tpu.dma_semaphore, #tpu.memory_space<semaphore_mem>>)
    }
    %scan3A_91 = arith.constant 98 : i32
    %add3A_92 = arith.constant 194 : i32
    %add3A_93 = arith.addi %mul3A_2, %add3A_92 : i32
    %mul3A_94 = arith.constant 128 : i32
    %mul3A_95 = arith.muli %add3A_93, %mul3A_94 : i32
    %dma_wait3A_96 = arith.constant 0 : i32
    %dma_wait3A_97 = arith.constant 0 : i32
    %dma_wait3A_98 = tpu.memref_slice %arg11[%dma_wait3A_96, %dma_wait3A_97] : memref<2x128xf32, #tpu.memory_space<vmem>> -> memref<1x128xf32, #tpu.memory_space<vmem>>
    %dma_wait3A_99 = tpu.memref_squeeze %dma_wait3A_98 : memref<1x128xf32, #tpu.memory_space<vmem>> -> memref<128xf32, #tpu.memory_space<vmem>>
    %dma_wait3A_100 = tpu.memref_slice %arg5[%mul3A_95] : memref<802816xf32, #tpu.memory_space<hbm>> -> memref<128xf32, #tpu.memory_space<hbm>>
    %dma_wait3A_101 = tpu.memref_slice %arg5[%mul3A_95] : memref<802816xf32, #tpu.memory_space<hbm>> -> memref<128xf32, #tpu.memory_space<hbm>>
    %dma_wait3A_102 = arith.constant 0 : i32
    %dma_wait3A_103 = tpu.memref_slice %arg11[%dma_wait3A_96, %dma_wait3A_102] : memref<2x128xf32, #tpu.memory_space<vmem>> -> memref<1x128xf32, #tpu.memory_space<vmem>>
    %dma_wait3A_104 = tpu.memref_squeeze %dma_wait3A_103 : memref<1x128xf32, #tpu.memory_space<vmem>> -> memref<128xf32, #tpu.memory_space<vmem>>
    tpu.wait_dma2 semaphore(%arg16 : memref<!tpu.dma_semaphore, #tpu.memory_space<semaphore_mem>>) src(%dma_wait3A_104 : memref<128xf32, #tpu.memory_space<vmem>>) dst(%dma_wait3A_101 : memref<128xf32, #tpu.memory_space<hbm>>)
    %add3A_105 = arith.constant 195 : i32
    %add3A_106 = arith.addi %mul3A_2, %add3A_105 : i32
    %mul3A_107 = arith.constant 128 : i32
    %mul3A_108 = arith.muli %add3A_106, %mul3A_107 : i32
    %dma_wait3A_109 = arith.constant 1 : i32
    %dma_wait3A_110 = arith.constant 0 : i32
    %dma_wait3A_111 = tpu.memref_slice %arg11[%dma_wait3A_109, %dma_wait3A_110] : memref<2x128xf32, #tpu.memory_space<vmem>> -> memref<1x128xf32, #tpu.memory_space<vmem>>
    %dma_wait3A_112 = tpu.memref_squeeze %dma_wait3A_111 : memref<1x128xf32, #tpu.memory_space<vmem>> -> memref<128xf32, #tpu.memory_space<vmem>>
    %dma_wait3A_113 = tpu.memref_slice %arg5[%mul3A_108] : memref<802816xf32, #tpu.memory_space<hbm>> -> memref<128xf32, #tpu.memory_space<hbm>>
    %dma_wait3A_114 = tpu.memref_slice %arg5[%mul3A_108] : memref<802816xf32, #tpu.memory_space<hbm>> -> memref<128xf32, #tpu.memory_space<hbm>>
    %dma_wait3A_115 = arith.constant 0 : i32
    %dma_wait3A_116 = tpu.memref_slice %arg11[%dma_wait3A_109, %dma_wait3A_115] : memref<2x128xf32, #tpu.memory_space<vmem>> -> memref<1x128xf32, #tpu.memory_space<vmem>>
    %dma_wait3A_117 = tpu.memref_squeeze %dma_wait3A_116 : memref<1x128xf32, #tpu.memory_space<vmem>> -> memref<128xf32, #tpu.memory_space<vmem>>
    tpu.wait_dma2 semaphore(%arg17 : memref<!tpu.dma_semaphore, #tpu.memory_space<semaphore_mem>>) src(%dma_wait3A_117 : memref<128xf32, #tpu.memory_space<vmem>>) dst(%dma_wait3A_114 : memref<128xf32, #tpu.memory_space<hbm>>)
    return
  }
}

</mosaic_0001>

<sc_bundles>
// kernel: _sc_score.3.cloned.1.call-start
scs
__scs_entry_jumppad:
0x0: {  	(pc) =	sbr.rel $0x88, $3  }
0x1: {  	(tag) =	ssettag $0x0;
	lr =	simm.s32 $0x1  }
0x2: {  	[smem:$0x3F9E] =	sst lr;
	_ =	strace $0xD0000000  }
0x3: {  	_ = 	snop  }
0x4: {  	_ = 	snop  }
0x5: {  	_ = 	snop  }
0x6: {  	_ = 	snop  }
0x7: {  	_ = 	snop  }
__scs_overlays_trampoline_lowered:
0x8: {  	[smem:$0x3FAD] =	sst s0  }
0x9: {  	[smem:$0x3FAE] =	sst s1  }
0xa: {  	[smem:$0x3FAF] =	sst s2  }
0xb: {  	[smem:$0x3FB0] =	sst s3  }
0xc: {  	[smem:$0x3FB1] =	sst s4  }
0xd: {  	[smem:$0x3FB2] =	sst s5  }
0xe: {  	[smem:$0x3FB3] =	sst s6  }
0xf: {  	[smem:$0x3FB4] =	sst s7  }
0x10: {  	[smem:$0x3FB5] =	sst s8  }
0x11: {  	[smem:$0x3FB6] =	sst s9;
	s0 =	simm.s32 @!p0 $0x0  }
0x12: {  	s1 =	sld [smem:$0x3F9C];
	s0 =	simm.s32 @p0 $0x1  }
0x13: {  	[smem:$0x3FB7] =	sst s0;
	s0 =	simm.s32 @!p1 $0x0  }
0x14: {  	s2 =	sld [smem:$0x3F9B];
	s0 =	simm.s32 @p1 $0x1  }
0x15: {  	[smem:$0x3FB8] =	sst s0;
	s0 =	simm.s32 @!p2 $0x0  }
0x16: {  	s3 =	sld [smem:$0x3FDB];
	s0 =	simm.s32 @p2 $0x1  }
0x17: {  	s4 =	simm.s32 $0x1BF5;
	[smem:$0x3FBA] =	sst s0  }
0x18: {  	s0 =	sld [smem:$0x3F9D];
	_ =	swait.ge [sflag:s4], $0x0  }
0x19: {  	s7 =	sld [smem:$0x3F9E]  }
0x1a: {  	s8 =	sadd.s32 $0xFFFFE003, lr  }
0x1b: {  	s9 =	sadd.s32 $0xFFFFFEF7, lr;
	s5 =	simm.s32 $0xFFFFFFFF;
	p2 =	slt.u32 s8, $0xFFFFF086  }
0x1c: {  	p1 =	slt.u32 s9, $0xF7A;
	s5 =	simm.s32 @!p2 $0x0  }
0x1d: {  	s5 =	simm.s32 @p1 $0x1;
	p0 =	seq.s32 s7, s2  }
0x1e: {  	s7 =	smul.u32 @!p0 $0xF7A, s2;
	p2 =	seq.s32 @!p0 s5, $0x0  }
0x1f: {  	s9 =	smul.u32 $0xF7A, s1;
	s8 =	simm.s32 @!p0 $0x1BF5;
	p2 =	por !p2, p0  }
0x20: {  	[sflag:s8] =	ssyncset.s32 @!p0 $0xFFFFF086;
	s6 =	sadd.s32 @!p0 s3, s7;
	s7 =	simm.s32 @!p0 $0x108  }
0x21: {  	s3 =	sadd.s32 s3, s9;
	s6 =	sadd.s32 @!p0 $0x88, s6;
	s7 =	simm.s32 @p2 $0x1082  }
0x22: {  	[simem:s7], [sflag:s8] =	dma.local @!p0 [hbm:s6], $0xF7A  }
0x23: {  	s9 =	sor.u32 $0xD0000000, s2;
	s6 =	simm.s32 $0x108;
	_ =	swait.ge @!p0 [sflag:s8], $0x0  }
0x24: {  	s3 =	sadd.s32 $0x88, s3;
	s6 =	simm.s32 @!p1 $0x1082;
	[sflag:s4] =	ssyncset.s32 $0xFFFFF086  }
0x25: {  	[simem:s6], [sflag:s4] =	dma.local [hbm:s3], $0xF7A  }
0x26: {  	[smem:$0x3F9E] =	sst s1;
	(tag) =	ssettag s2;
	_ =	strace s9  }
0x27: {  	s1 =	sld [smem:$0x3FAE]  }
0x28: {  	s2 =	sld [smem:$0x3FAF]  }
0x29: {  	s4 =	sld [smem:$0x3FB1]  }
0x2a: {  	p0 =	seq.s32 s5, $0x0;
	s5 =	sld [smem:$0x3FB2]  }
0x2b: {  	s6 =	sld [smem:$0x3FB3]  }
0x2c: {  	s7 =	sld [smem:$0x3FB4]  }
0x2d: {  	s3 =	simm.s32 $0x108;
	s8 =	sld [smem:$0x3FB5]  }
0x2e: {  	s3 =	simm.s32 @!p0 $0x1082;
	s9 =	sld [smem:$0x3FB6]  }
0x2f: {  	lr =	sadd.s32 s0, s3;
	s0 =	sld [smem:$0x3FAD]  }
0x30: {  	s3 =	sld [smem:$0x3FB0]  }
0x31: {  	[smem:$0x3FB9] =	sst s10  }
0x32: {  	s10 =	sld [smem:$0x3FB7];
	_ =	sdelay $0x3  }
0x33: {  	p0 =	seq.s32 s10, $0x1;
	s10 =	sld [smem:$0x3FB9];
	_ =	sdelay $0x3  }
0x34: {  	[smem:$0x3FB9] =	sst s10  }
0x35: {  	s10 =	sld [smem:$0x3FB8];
	_ =	sdelay $0x3  }
0x36: {  	p1 =	seq.s32 s10, $0x1;
	s10 =	sld [smem:$0x3FB9];
	_ =	sdelay $0x3  }
0x37: {  	[smem:$0x3FB9] =	sst s10  }
0x38: {  	s10 =	sld [smem:$0x3FBA]  }
0x39: {  	_ = 	snop;
	(pc) =	sbr.ind lr, $3  }
0x3a: {  	_ = 	snop  }
0x3b: {  	_ = 	snop  }
0x3c: {  	p2 =	seq.s32 s10, $0x1;
	s10 =	sld [smem:$0x3FB9]  }
0x3d: {  	_ =	shalt  }
0x3e: {  	_ =	shalt  }
0x3f: {  	_ =	shalt  }
0x40: {  	_ =	shalt  }
0x41: {  	_ =	shalt  }
0x42: {  	_ =	shalt  }
0x43: {  	_ =	shalt  }
0x44: {  	_ =	shalt  }
0x45: {  	_ =	shalt  }
0x46: {  	_ =	shalt  }
0x47: {  	_ =	shalt  }
0x48: {  	_ =	shalt  }
0x49: {  	_ =	shalt  }
0x4a: {  	_ =	shalt  }
0x4b: {  	_ =	shalt  }
0x4c: {  	_ =	shalt  }
0x4d: {  	_ =	shalt  }
0x4e: {  	_ =	shalt  }
0x4f: {  	_ =	shalt  }
0x50: {  	_ =	shalt  }
0x51: {  	_ =	shalt  }
0x52: {  	_ =	shalt  }
0x53: {  	_ =	shalt  }
0x54: {  	_ =	shalt  }
0x55: {  	_ =	shalt  }
0x56: {  	_ =	shalt  }
0x57: {  	_ =	shalt  }
0x58: {  	_ =	shalt  }
0x59: {  	_ =	shalt  }
0x5a: {  	_ =	shalt  }
0x5b: {  	_ =	shalt  }
0x5c: {  	_ =	shalt  }
0x5d: {  	_ =	shalt  }
0x5e: {  	_ =	shalt  }
0x5f: {  	_ =	shalt  }
0x60: {  	_ =	shalt  }
0x61: {  	_ =	shalt  }
0x62: {  	_ =	shalt  }
0x63: {  	_ =	shalt  }
0x64: {  	_ =	shalt  }
0x65: {  	_ =	shalt  }
0x66: {  	_ =	shalt  }
0x67: {  	_ =	shalt  }
0x68: {  	_ =	shalt  }
0x69: {  	_ =	shalt  }
0x6a: {  	_ =	shalt  }
0x6b: {  	_ =	shalt  }
0x6c: {  	_ =	shalt  }
0x6d: {  	_ =	shalt  }
0x6e: {  	_ =	shalt  }
0x6f: {  	_ =	shalt  }
0x70: {  	_ =	shalt  }
0x71: {  	_ =	shalt  }
0x72: {  	_ =	shalt  }
0x73: {  	_ =	shalt  }
0x74: {  	_ =	shalt  }
0x75: {  	_ =	shalt  }
0x76: {  	_ =	shalt  }
0x77: {  	_ =	shalt  }
0x78: {  	_ =	shalt  }
0x79: {  	_ =	shalt  }
0x7a: {  	_ =	shalt  }
0x7b: {  	_ =	shalt  }
0x7c: {  	_ =	shalt  }
0x7d: {  	_ =	shalt  }
0x7e: {  	_ =	shalt  }
0x7f: {  	_ =	shalt  }
0x80: {  	_ =	shalt  }
0x81: {  	_ =	shalt  }
0x82: {  	_ =	shalt  }
0x83: {  	_ =	shalt  }
0x84: {  	_ =	shalt  }
0x85: {  	_ =	shalt  }
0x86: {  	_ =	shalt  }
0x87: {  	_ =	shalt  }
.Lfunc_end0:
.L_simem_size_0:
called_computation_lowered:
.L_overlay_start_0:
0x88: {  	s2 =	sld [smem:$0x3FD9]  }
0x89: {  	s3 =	sld [smem:$0x3FFE];
	_ =	sdelay $0x1  }
0x8a: {  	s1 =	srdreg.scid  }
0x8b: {  	s0 =	sand.u32 $0x1, s1  }
0x8c: {  	s17 =	sshll.u32 s0, $0xA;
	s2 =	sadd.s32 s3, s2  }
0x8d: {  	s2 =	sadd.s32 s2, s17  }
0x8e: {  	[smem:$0x3FC5] =	sst s2  }
0x8f: {  	_ = 	snop  }
0x90: {  	s2 =	sld [smem:$0x3FD0];
	(tm) =	ssettm $0x1  }
0x91: {  	s18 =	sld [smem:$0x3FFB];
	_ =	sdelay $0x3  }
0x92: {  	_ =	strace s18  }
0x93: {  	s3 =	sld [smem:$0x3FFC];
	_ =	sdelay $0x3  }
0x94: {  	_ =	strace s3  }
0x95: {  	s3 =	sld [smem:$0x3FFD];
	_ =	sdelay $0x3  }
0x96: {  	_ =	strace s3  }
0x97: {  	_ =	strace $0x8FFFFFFF  }
0x98: {  	s19 =	sld [smem:$0x3FDB];
	_ =	sdelay $0x1  }
0x99: {  	s4 =	simm.s32 $_scs_section_size  }
0x9a: {  	s5 =	simm.s32 $_size__tile_overlayer_lowered;
	s6 =	simm.s32 $_tile_overlayer_lowered  }
0x9b: {  	s22 =	simm.s32 $0x1BFF;
	s21 =	sshll.u32 s6, $0x1;
	s3 =	sadd.s32 s4, s19  }
0x9c: {  	s7 =	simm.s32 $0x0;
	s20 =	sshll.u32 s5, $0x1;
	s5 =	sadd.s32 s21, s3  }
0x9d: {  	[timem:s7], [sflag:s22] =	dma.local [hbm:s5], s20  }
0x9e: {  	_ =	swait.ge [sflag:s22], s20  }
0x9f: {  	s4 =	ssub.s32 $0x0, s20;
	[sflag:s22] =	ssyncset.done $0x0  }
0xa0: {  	[sflag:s22] =	ssyncadd.s32 s4;
	_ =	sdelay $0x1  }
0xa1: {  	s23 =	simm.s32 $0x1B8B  }
0xa2: {  	_ =	swait.ge [sflag:s23], $0x1  }
0xa3: {  	[sflag:s23] =	ssyncset.done $0x0  }
0xa4: {  	s25 =	simm.s32 $0x1B8E;
	s24 =	sld [smem:$0x3FFE];
	[sflag:s23] =	ssyncadd.s32 $0xFFFFFFFF  }
0xa5: {  	s26 =	simm.s32 $execute0_lowered;
	[smem:$0x3FD2] =	sst s25  }
0xa6: {  	s5 =	sshll.u32 s26, $0x1;
	_ =	strace $0x80000046;
	[dreg:$0x1] =	wrdreg $0xFFFFFFFF  }
0xa7: {  	s28 =	simm.s32 $_size_execute0_lowered;
	s3 =	sadd.s32 s3, s5;
	[dreg:$0x0] =	wrdreg $0x0  }
0xa8: {  	s5 =	sshll.u32 s28, $0x1;
	[dreg:$0x2] =	wrdreg s3  }
0xa9: {  	[dreg:$0x3] =	wrdreg s5  }
0xaa: {  	[dreg:$0x4] =	wrdreg $0xC0  }
0xab: {  	_ =	task [dreg:s7], $0x5FFFF  }
0xac: {  	[dreg:$0x1] =	wrdreg $0xFFFFFFFF  }
0xad: {  	[dreg:$0x0] =	wrdreg $0x60  }
0xae: {  	[dreg:$0x2] =	wrdreg s24  }
0xaf: {  	[dreg:$0x3] =	wrdreg s2  }
0xb0: {  	[dreg:$0x4] =	wrdreg $0x0  }
0xb1: {  	[dreg:$0x5] =	wrdreg $0x9  }
0xb2: {  	_ =	task.clear_ibuf [dreg:s7], $0x6FFFF;
	_ =	strace $0x90000046  }
0xb3: {  	s29 =	simm.s32 $0x9;
	_ =	strace $0x80000048  }
0xb4: {  	_ =	swait.ge [sflag:s29], $0x1  }
0xb5: {  	[sflag:s29] =	ssyncadd.s32 $0xFFFFFFFF  }
0xb6: {  	_ =	strace $0x90000048  }
0xb7: {  	_ =	sfence  }
0xb8: {  	s30 =	sld [smem:$0x0];
	_ =	sdelay $0x2  }
0xb9: {  	s31 =	sshll.u32 s1, $0xD;
	s1 =	sshrl.u32 s1, $0x2  }
0xba: {  	s3 =	sand.u32 $0x4000, s31;
	s1 =	sadd.s32 s1, s30  }
0xbb: {  	s0 =	sor.u32 s3, s0;
	s1 =	sshll.u32 s1, $0x11  }
0xbc: {  	s0 =	sor.u32 s1, s0  }
0xbd: {  	s0 =	sadd.s32 $0x8F2B, s0  }
0xbe: {  	[sflag:s0] =	ssyncadd.remote.s32 $0x1  }
0xbf: {  	_ =	sfence.sel $0xFFFF  }
0xc0: {  	[dreg:$0x0] =	wrdreg $0xFFFFFFFF;
	(pc) =	sbr.abs _section_cstart, $3  }
0xc1: {  	[dreg:$0x1] =	wrdreg $0xFFFFFFFF  }
0xc2: {  	_ =	task.clear_ibuf [dreg:s7], $0x2FFFF;
	_ =	strace $0x9FFFFFFF  }
0xc3: {  	(tm) =	ssettm $0x7FFFFFFF  }
tec
execute0_lowered:
.L_overlay_start_1:
0x0: {  	(tag) =	ssettag $0x1  }
0x1: {  	s0 =	rddreg [dreg:$0x0]  }
0x2: {  	s2 =	rddreg [dreg:$0x1]  }
0x3: {  	s3 =	rddreg [dreg:$0x2]  }
0x4: {  	s14 =	stileid.u32;
	s4 =	simm.s32 $0x0;
	s5 =	srdreg.scid  }
0x5: {  	s15 =	simm.s32 $0x18700;
	s20 =	simm.s32 $0x19500;
	s28 =	simm.s32 $0x2  }
0x6: {  	s29 =	simm.s32 $0x1A680;
	s30 =	simm.s32 $0x19600;
	s31 =	simm.s32 $0x1C680  }
0x7: {  	s1 =	smul.u32 $0x18700, s14;
	[smem:$0x7FF] =	sst s4;
	s5 =	sand.u32 $0x1, s5  }
0x8: {  	s6 =	sshll.u32 s14, $0x1;
	s21 =	sadd.s32 $0x7AC00, s0;
	s25 =	sshll.u32 s14, $0x6  }
0x9: {  	_ =	strace $0x80000047;
	s8 =	sor.u32 s5, s6;
	s5 =	ssub.s32 $0x2, s5  }
0xa: {  	[dreg:$0x4] =	wrdreg s21;
	s6 =	sadd.s32 $0x31400, s0;
	s7 =	sshrl.u32 s1, $0x3  }
0xb: {  	s10 =	smul.u32 $0x24C0, s8;
	s22 =	sshrl.u32 s5, $0x1;
	s1 =	sadd.s32 s1, s3  }
0xc: {  	s9 =	sadd.s32 s7, s0;
	s0 =	ssub.s32 s5, s22;
	s7 =	smul.u32 $0xC4, s8  }
0xd: {  	s26 =	sshrl.u32 s1, $0x3;
	s22 =	simm.s32 $0x80;
	s1 =	simm.s32 $0x4  }
0xe: {  	s23 =	sadd.s32 s6, s10;
	s24 =	sadd.s32 $0x600, s9;
	[dreg:$0xa] =	wrdreg s26  }
0xf: {  	s0 =	smax.u32 s0, $0x1;
	s26 =	simm.s32 $0x3;
	[dreg:$0x6] =	wrdreg s24  }
0x10: {  	s9 =	simm.s32 $0x0;
	[dreg:$0x5] =	wrdreg s23;
	s5 =	sadd.s32 $0x30, s23  }
0x11: {  	s11 =	sor.u32 $0x2, s7;
	s12 =	sor.u32 $0x3, s7;
	s13 =	sor.u32 $0x1, s7  }
0x12: {  	[dreg:$0x8] =	wrdreg s0;
	s0 =	sor.u32 $0x1C07, s25;
	s23 =	simm.s32 $0x19680  }
0x13: {  	v0 =	vlaneseq.u32;
	s25 =	simm.s32 $0x1B680;
	s24 =	simm.s32 $0x1D700;
	[dreg:$0x7] =	wrdreg s5  }
0x14: {  	v1 =	vmul.u32 $0x20, v0;
	v2 =	vand.u32 $0x7, v0;
	[dreg:$0x9] =	wrdreg s0;
	s0 =	simm.s32 $0x1D680;
	s5 =	simm.s32 $0x6  }
.LBB2_1:
0x15: {  	[dreg:$0xb] =	wrdreg s9  }
0x16: {  	s8 =	rddreg [dreg:$0x4];
	s19 =	simm.s32 $0x7  }
0x17: {  	[tilespmem:s15], [sflag:$0x7] =	stream.linear.gather [hbm4b:s8+s4], $0xC80, $0x38;
	[tilespmem:$0x1D780] =	vst v63  }
0x18: {  	_ =	swait.ge [sflag:s19], $0xC80  }
0x19: {  	s21 =	rddreg [dreg:$0x6]  }
0x1a: {  	[sflag:s19] =	ssyncset.done $0x0;
	s10 =	rddreg [dreg:$0x9]  }
0x1b: {  	s14 =	rddreg [dreg:$0xa];
	[sflag:s19] =	ssyncadd.s32 $0xFFFFF380  }
0x1c: {  	[spmem:s14], [sflag:s10] =	dma.local [hbm:s21], $0x30E0  }
0x1d: {  	_ =	swait.ge [sflag:s19], $0x30E0  }
0x1e: {  	[sflag:s19] =	ssyncset.done $0x0  }
0x1f: {  	[sflag:s19] =	ssyncadd.s32 $0xFFFFCF20  }
0x20: {  	[bflag:$0x0] =	sbarrier.arrive $0xFFFF  }
0x21: {  	s17 =	simm.s32 $0x19380;
	s16 =	rddreg [dreg:$0x5]  }
0x22: {  	[tilespmem:s17], [sflag:$0x1] =	stream.linear.gather [hbm4b:s16+s4], $0x180, $0x38;
	[tilespmem:$0x1D780] =	vst v63  }
0x23: {  	s19 =	simm.s32 $0x1;
	s18 =	rddreg [dreg:$0x7]  }
0x24: {  	[tilespmem:s20], [sflag:$0x2] =	stream.linear.gather [hbm4b:s18+s4], $0x180, $0x38;
	[tilespmem:$0x1D780] =	vst v63  }
0x25: {  	_ =	swait.ge [sflag:s19], $0x180  }
0x26: {  	[sflag:s19] =	ssyncset.done $0x0  }
0x27: {  	[sflag:s19] =	ssyncadd.s32 $0xFFFFFE80  }
0x28: {  	[tilespmem:s23], [sflag:$0x3] =	stream.indirect.gather [spmem:s3], $0x20, s17, s22, $0xb8;
	[tilespmem:$0x1D780] =	vst v63  }
0x29: {  	s21 =	simm.s32 $0x19480;
	s10 =	simm.s32 $0x0  }
0x2a: {  	[tilespmem:s25], [sflag:$0x3] =	stream.indirect.gather [spmem:s3], $0x20, s21, s22, $0xb8;
	[tilespmem:$0x1D780] =	vst v63  }
.LBB2_2:
0x2b: {  	_ =	swait.ge [sflag:s26], $0x1000  }
0x2c: {  	[sflag:s26] =	ssyncset.done $0x0  }
0x2d: {  	[sflag:s26] =	ssyncadd.s32 $0xFFFFF000  }
0x2e: {  	_ =	swait.ge [sflag:s26], $0x1000  }
0x2f: {  	[sflag:s26] =	ssyncset.done $0x0  }
0x30: {  	[sflag:s26] =	ssyncadd.s32 $0xFFFFF000  }
0x31: {  	_ =	swait.ge [sflag:s28], $0x180  }
0x32: {  	[sflag:s28] =	ssyncset.done $0x0  }
0x33: {  	p0 =	seq.s32 s10, $0x0;
	[sflag:s28] =	ssyncadd.s32 $0xFFFFFE80  }
0x34: {  	[tilespmem:s29], [sflag:$0x4] =	stream.indirect.gather [spmem:s3], $0x20, s20, s22, $0xb8;
	[tilespmem:$0x1D780] =	vst v63  }
0x35: {  	s8 =	simm.s32 @!p0 $0x5  }
0x36: {  	[tilespmem:s31], [sflag:$0x4] =	stream.indirect.gather [spmem:s3], $0x20, s30, s22, $0xb8;
	[tilespmem:$0x1D780] =	vst v63  }
0x37: {  	_ =	swait.ge @!p0 [sflag:s8], $0x80  }
0x38: {  	[sflag:s8] =	ssyncset.done @!p0 $0x0  }
0x39: {  	s14 =	sshll.u32 s10, $0x1;
	s17 =	simm.s32 $0x0;
	[sflag:s8] =	ssyncadd.s32 @!p0 $0xFFFFFF80  }
.LBB2_3:
0x3a: {  	s18 =	sshll.u32 s17, $0x4  }
0x3b: {  	s8 =	simm.s32 $0x1;
	v3 =	vmov s18  }
0x3c: {  	v4 =	vld [tilespmem:s18+$0x19400];
	v5 =	vadd.s32 s8, v0;
	v3 =	vshll.u32 v3, $0x5  }
0x3d: {  	s21 =	simm.s32 $0x2;
	v6 =	vand.u32 $0x1F, v5;
	v3 =	vor.u32 v1, v3  }
0x3e: {  	s16 =	simm.s32 $0x0;
	v12 =	vadd.s32 s21, v0;
	v8 =	vor.u32 v3, v6  }
0x3f: {  	v7 =	vadd.s32 s16, v0;
	v12 =	vand.u32 $0x1F, v12  }
0x40: {  	v7 =	vand.u32 $0x18, v7;
	v5 =	vor.u32 v2, v3;
	v15 =	vor.u32 v3, v12  }
0x41: {  	s19 =	simm.s32 $0x3;
	v9 =	vor.u32 v5, v7;
	v4 =	vshll.u32 v4, $0x5  }
0x42: {  	v10 =	vadd.s32 s19, v0;
	v6 =	vor.u32 v4, v6  }
0x43: {  	v10 =	vand.u32 $0x1F, v10;
	v13 =	vld.idx.msk [tilespmem:v8+s23+$0x0], $0xffff  }
0x44: {  	v11 =	vor.u32 v4, v10;
	v17 =	vld.idx.msk [tilespmem:v8+s25+$0x0], $0xffff  }
0x45: {  	v27 =	vld.idx.msk [tilespmem:v15+s25+$0x0], $0xffff  }
0x46: {  	v10 =	vor.u32 v3, v10;
	v16 =	vld.idx.msk [tilespmem:v9+s25+$0x0], $0xffff  }
0x47: {  	v12 =	vor.u32 v4, v12;
	v14 =	vld.idx.msk [tilespmem:v6+s15+$0x0], $0xffff;
	v6 =	vor.u32 v2, v4  }
0x48: {  	s9 =	simm.s32 $0x5;
	v9 =	vld.idx.msk [tilespmem:v9+s23+$0x0], $0xffff;
	v7 =	vor.u32 v6, v7  }
0x49: {  	v8 =	vld.idx.msk [tilespmem:v11+s15+$0x0], $0xffff;
	v11 =	vadd.s32 s9, v0  }
0x4a: {  	s16 =	simm.s32 $0x4;
	v15 =	vld.idx.msk [tilespmem:v15+s23+$0x0], $0xffff;
	v11 =	vand.u32 $0x1F, v11  }
0x4b: {  	v18 =	vadd.s32 s16, v0;
	v21 =	vld.idx.msk [tilespmem:v10+s25+$0x0], $0xffff;
	v23 =	vor.u32 v3, v11  }
0x4c: {  	v18 =	vand.u32 $0x1F, v18;
	v28 =	vor.u32 v4, v11;
	v11 =	vld.idx.msk [tilespmem:v12+s15+$0x0], $0xffff  }
0x4d: {  	s19 =	simm.s32 $0x6;
	v24 =	vld.idx.msk [tilespmem:v7+s15+$0x0], $0xffff;
	v7 =	vmul.bf16 v17, v13;
	v17 =	vor.u32 v3, v18  }
0x4e: {  	v19 =	vimm.f32 $0.0e+00;
	v12 =	vmul.bf16 v16, v9;
	v13 =	vld.idx.msk [tilespmem:v10+s23+$0x0], $0xffff;
	v10 =	vadd.s32 s19, v0  }
0x4f: {  	s21 =	simm.s32 $0x7;
	v10 =	vand.u32 $0x1F, v10;
	v26 =	vmul.bf16 v14, v7;
	v7 =	vor.u32 v4, v18  }
0x50: {  	v9 =	vld.idx.msk [tilespmem:v23+s25+$0x0], $0xffff;
	v18 =	vor.u32 v3, v10;
	v22 =	vor.u32 v4, v10;
	v10 =	vadd.s32 s21, v0  }
0x51: {  	v27 =	vmul.bf16 v27, v15;
	v14 =	vld.idx.msk [tilespmem:v23+s23+$0x0], $0xffff;
	v29 =	vand.u32 $0x1F, v10;
	v20 =	vshll.u32 v26, $0x10  }
0x52: {  	v16 =	vand.u32 $0xFFFF0000, v26;
	v15 =	vor.u32 v4, v29;
	v25 =	vmul.bf16 v24, v12;
	v12 =	vld.idx.msk [tilespmem:v17+s23+$0x0], $0xffff  }
0x53: {  	v10 =	vadd.f32 v16, v19;
	v26 =	vmul.bf16 v21, v13;
	v13 =	vld.idx.msk [tilespmem:v28+s15+$0x0], $0xffff;
	v24 =	vor.u32 v3, v29  }
0x54: {  	s8 =	simm.s32 $0xF;
	v16 =	vld.idx.msk [tilespmem:v17+s25+$0x0], $0xffff;
	v21 =	vimm.f32 $0.0e+00;
	v17 =	vimm.f32 $0.0e+00;
	v23 =	vshll.u32 v25, $0x10  }
.LBB2_4:
0x55: {  	s21 =	sadd.s32 $0xFFFFFFF9, s8;
	s19 =	sadd.s32 $0xFFFFFFFA, s8;
	s16 =	sadd.s32 $0xFFFFFFFC, s8;
	v25 =	vand.u32 $0xFFFF0000, v25;
	v19 =	vadd.f32 v20, v19;
	v8 =	vmul.bf16 v8, v26;
	v20 =	vld.idx.msk [tilespmem:v22+s15+$0x0], $0xffff  }
0x56: {  	p0 =	sne.s32 s8, $0x1F;
	v22 =	vadd.s32 s21, v0;
	v26 =	vadd.s32 s19, v0;
	v11 =	vmul.bf16 v11, v27;
	v27 =	vld.idx.msk [tilespmem:v18+s23+$0x0], $0xffff;
	s21 =	smov.u32 s8;
	s8 =	sadd.s32 $0x8, s8  }
0x57: {  	v21 =	vadd.f32 v25, v21;
	v22 =	vand.u32 $0x18, v22;
	v26 =	vand.u32 $0x1F, v26;
	v18 =	vld.idx.msk [tilespmem:v18+s25+$0x0], $0xffff  }
0x58: {  	v25 =	vor.u32 v5, v22;
	v28 =	vor.u32 v3, v26;
	v29 =	vand.u32 $0xFFFF0000, v11;
	v30 =	vld.idx.msk [tilespmem:v24+s23+$0x0], $0xffff  }
0x59: {  	v17 =	vadd.f32 v23, v17;
	v31 =	vadd.s32 s16, v0;
	s19 =	sadd.s32 $0xFFFFFFFB, s21;
	v26 =	vor.u32 v4, v26;
	v23 =	vld.idx.msk [tilespmem:v24+s25+$0x0], $0xffff  }
0x5a: {  	v31 =	vand.u32 $0x1F, v31;
	v24 =	vadd.s32 s19, v0;
	v21 =	vadd.f32 v29, v21  }
0x5b: {  	v29 =	vor.u32 v3, v31;
	v24 =	vand.u32 $0x1F, v24;
	v32 =	vld.idx.msk [tilespmem:v7+s15+$0x0], $0xffff;
	v7 =	vmul.bf16 v9, v14  }
0x5c: {  	v14 =	vor.u32 v3, v24;
	v9 =	vor.u32 v4, v31;
	v31 =	vand.u32 $0xFFFF0000, v8;
	v15 =	vld.idx.msk [tilespmem:v15+s15+$0x0], $0xffff  }
0x5d: {  	s16 =	sadd.s32 $0xFFFFFFFE, s21;
	v22 =	vor.u32 v6, v22;
	v12 =	vmul.bf16 v16, v12;
	v24 =	vor.u32 v4, v24;
	v33 =	vld.idx.msk [tilespmem:v28+s23+$0x0], $0xffff  }
0x5e: {  	v8 =	vshll.u32 v8, $0x10;
	v18 =	vmul.bf16 v18, v27;
	v16 =	vld.idx.msk [tilespmem:v26+s15+$0x0], $0xffff;
	v26 =	vadd.s32 s16, v0  }
0x5f: {  	v19 =	vadd.f32 v8, v19;
	v13 =	vmul.bf16 v13, v7;
	v27 =	vld.idx.msk [tilespmem:v25+s25+$0x0], $0xffff;
	v26 =	vand.u32 $0x1F, v26  }
0x60: {  	v10 =	vadd.f32 v31, v10;
	s16 =	sadd.s32 $0xFFFFFFFD, s21;
	v23 =	vmul.bf16 v23, v30;
	v28 =	vld.idx.msk [tilespmem:v28+s25+$0x0], $0xffff;
	v34 =	vor.u32 v3, v26  }
0x61: {  	v7 =	vadd.s32 s16, v0;
	v30 =	vor.u32 v4, v26;
	v8 =	vld.idx.msk [tilespmem:v9+s15+$0x0], $0xffff;
	v9 =	vshll.u32 v13, $0x10  }
0x62: {  	v31 =	vshll.u32 v11, $0x10;
	v18 =	vmul.bf16 v20, v18;
	v7 =	vand.u32 $0x1F, v7;
	v26 =	vld.idx.msk [tilespmem:v29+s25+$0x0], $0xffff  }
0x63: {  	v12 =	vmul.bf16 v32, v12;
	v35 =	vor.u32 v3, v7;
	v7 =	vor.u32 v4, v7;
	v11 =	vld.idx.msk [tilespmem:v24+s15+$0x0], $0xffff  }
0x64: {  	v13 =	vand.u32 $0xFFFF0000, v13;
	v15 =	vmul.bf16 v15, v23;
	v24 =	vand.u32 $0xFFFF0000, v18;
	v20 =	vld.idx.msk [tilespmem:v25+s23+$0x0], $0xffff  }
0x65: {  	v23 =	vshll.u32 v12, $0x10;
	v12 =	vand.u32 $0xFFFF0000, v12;
	v19 =	vadd.f32 v9, v19;
	v32 =	vld.idx.msk [tilespmem:v14+s25+$0x0], $0xffff  }
0x66: {  	s16 =	sadd.s32 $0xFFFFFFFF, s21;
	v25 =	vld.idx.msk [tilespmem:v22+s15+$0x0], $0xffff;
	v22 =	vmul.bf16 v28, v33;
	v28 =	vshll.u32 v18, $0x10;
	v18 =	vand.u32 $0xFFFF0000, v15  }
0x67: {  	v17 =	vadd.f32 v31, v17;
	v12 =	vadd.f32 v12, v21;
	v33 =	vadd.s32 s16, v0;
	v9 =	vld.idx.msk [tilespmem:v34+s25+$0x0], $0xffff  }
0x68: {  	v10 =	vadd.f32 v13, v10;
	v13 =	vshll.u32 v15, $0x10;
	v16 =	vmul.bf16 v16, v22;
	v29 =	vld.idx.msk [tilespmem:v29+s23+$0x0], $0xffff  }
0x69: {  	v17 =	vadd.f32 v23, v17;
	v21 =	vadd.f32 v24, v12;
	v22 =	vand.u32 $0x1F, v33;
	v15 =	vld.idx.msk [tilespmem:v14+s23+$0x0], $0xffff  }
0x6a: {  	v10 =	vadd.f32 v18, v10;
	v23 =	vmul.bf16 v27, v20;
	v20 =	vshll.u32 v16, $0x10;
	v14 =	vld.idx.msk [tilespmem:v34+s23+$0x0], $0xffff  }
.Ltmp0:
0x6b: {  	v17 =	vadd.f32 v28, v17;
	v18 =	vor.u32 v3, v22;
	v22 =	vor.u32 v4, v22;
	v12 =	vld.idx.msk [tilespmem:v35+s23+$0x0], $0xffff;
	(pc) =	sbr.rel @p0 .LBB2_4-.Ltmp0, $4  }
0x6c: {  	v19 =	vadd.f32 v13, v19;
	v25 =	vmul.bf16 v25, v23;
	v23 =	vadd.s32 s21, v0  }
0x6d: {  	v13 =	vand.u32 $0xFFFF0000, v16;
	v28 =	vand.u32 $0x1F, v23  }
0x6e: {  	v10 =	vadd.f32 v13, v10;
	v26 =	vmul.bf16 v26, v29;
	v24 =	vor.u32 v3, v28;
	v13 =	vld.idx.msk [tilespmem:v30+s15+$0x0], $0xffff  }
0x6f: {  	v23 =	vshll.u32 v25, $0x10;
	v27 =	vmul.bf16 v32, v15;
	v15 =	vor.u32 v4, v28;
	v16 =	vld.idx.msk [tilespmem:v35+s25+$0x0], $0xffff  }
0x70: {  	_ =	sdelay $0x3  }
0x71: {  	v3 =	vld.idx.msk [tilespmem:v18+s23+$0x0], $0xffff  }
0x72: {  	v4 =	vld.idx.msk [tilespmem:v18+s25+$0x0], $0xffff;
	v5 =	vand.u32 $0xFFFF0000, v25;
	v6 =	vmul.bf16 v11, v27  }
0x73: {  	v18 =	vadd.f32 v20, v19;
	v19 =	vld.idx.msk [tilespmem:v24+s25+$0x0], $0xffff;
	v8 =	vmul.bf16 v8, v26;
	s9 =	simm.s32 $0x3;
	v5 =	vadd.f32 v5, v21  }
0x74: {  	v20 =	vld.idx.msk [tilespmem:v22+s15+$0x0], $0xffff;
	v9 =	vmul.bf16 v9, v14;
	v22 =	vadd.s32 s9, v0;
	v21 =	vand.u32 $0xFFFF0000, v6  }
0x75: {  	v14 =	vadd.f32 v23, v17;
	v22 =	vand.u32 $0x1F, v22;
	v17 =	vadd.f32 v21, v5;
	v5 =	vld.idx.msk [tilespmem:v7+s15+$0x0], $0xffff  }
0x76: {  	v11 =	vld.idx.msk [tilespmem:v24+s23+$0x0], $0xffff;
	v9 =	vmul.bf16 v13, v9;
	v6 =	vshll.u32 v6, $0x10;
	v7 =	vand.u32 $0xFFFF0000, v8  }
0x77: {  	s19 =	simm.s32 $0x2;
	v8 =	vshll.u32 v8, $0x10;
	v12 =	vmul.bf16 v16, v12;
	v3 =	vmul.bf16 v4, v3;
	v4 =	vld [tilespmem:s18+$0x19410]  }
0x78: {  	s8 =	sor.u32 $0x10, s18;
	v6 =	vadd.f32 v6, v14;
	v14 =	vadd.s32 s19, v0;
	v8 =	vadd.f32 v8, v18  }
0x79: {  	s16 =	simm.s32 $0x1;
	v7 =	vadd.f32 v7, v10;
	v13 =	vmul.bf16 v20, v3;
	v3 =	vmov s8  }
0x7a: {  	s21 =	simm.s32 $0x0;
	v3 =	vshll.u32 v3, $0x5;
	v12 =	vmul.bf16 v5, v12;
	v5 =	vadd.s32 s16, v0  }
0x7b: {  	v15 =	vld.idx.msk [tilespmem:v15+s15+$0x0], $0xffff;
	v18 =	vadd.s32 s21, v0;
	v3 =	vor.u32 v1, v3;
	v16 =	vand.u32 $0x1F, v5  }
0x7c: {  	v10 =	vmul.bf16 v19, v11;
	v4 =	vshll.u32 v4, $0x5;
	v19 =	vor.u32 v3, v16  }
0x7d: {  	v18 =	vand.u32 $0x18, v18;
	v5 =	vor.u32 v2, v3;
	v16 =	vor.u32 v4, v16  }
0x7e: {  	v11 =	vshll.u32 v9, $0x10;
	v9 =	vand.u32 $0xFFFF0000, v9;
	v21 =	vor.u32 v5, v18  }
0x7f: {  	v14 =	vand.u32 $0x1F, v14;
	v8 =	vadd.f32 v11, v8;
	v9 =	vadd.f32 v9, v7  }
0x80: {  	v10 =	vmul.bf16 v15, v10;
	v20 =	vand.u32 $0xFFFF0000, v13;
	v11 =	vor.u32 v4, v22  }
0x81: {  	v13 =	vshll.u32 v13, $0x10;
	v15 =	vshll.u32 v12, $0x10;
	v12 =	vand.u32 $0xFFFF0000, v12;
	v23 =	vld.idx.msk [tilespmem:v19+s23+$0x0], $0xffff  }
0x82: {  	v22 =	vor.u32 v3, v22;
	v15 =	vadd.f32 v15, v6;
	v6 =	vor.u32 v2, v4;
	v16 =	vld.idx.msk [tilespmem:v16+s15+$0x0], $0xffff  }
0x83: {  	v7 =	vshll.u32 v10, $0x10;
	v12 =	vadd.f32 v12, v17;
	v17 =	vor.u32 v6, v18;
	v25 =	vld.idx.msk [tilespmem:v21+s25+$0x0], $0xffff  }
0x84: {  	v10 =	vand.u32 $0xFFFF0000, v10;
	v8 =	vadd.f32 v7, v8;
	v13 =	vadd.f32 v13, v15;
	v18 =	vld.idx.msk [tilespmem:v19+s25+$0x0], $0xffff  }
0x85: {  	s21 =	simm.s32 $0x5;
	v24 =	vor.u32 v3, v14;
	v9 =	vadd.f32 v10, v9;
	v7 =	vld.idx.msk [tilespmem:v11+s15+$0x0], $0xffff  }
0x86: {  	v10 =	vadd.s32 s21, v0;
	v11 =	vadd.f32 v20, v12;
	v8 =	vadd.f32 v8, v13;
	v13 =	vld.idx.msk [tilespmem:v21+s23+$0x0], $0xffff  }
0x87: {  	s9 =	simm.s32 $0x4;
	v10 =	vand.u32 $0x1F, v10;
	v15 =	vld.idx.msk [tilespmem:v22+s25+$0x0], $0xffff;
	v12 =	vor.u32 v4, v14  }
0x88: {  	v14 =	vor.u32 v3, v10;
	v9 =	vadd.f32 v9, v11;
	v11 =	vadd.s32 s9, v0;
	v21 =	vld.idx.msk [tilespmem:v17+s15+$0x0], $0xffff  }
0x89: {  	s19 =	simm.s32 $0x6;
	v22 =	vld.idx.msk [tilespmem:v22+s23+$0x0], $0xffff;
	v20 =	vand.u32 $0x1F, v11;
	v11 =	vmul.bf16 v18, v23  }
0x8a: {  	v19 =	vld.idx.msk [tilespmem:v24+s25+$0x0], $0xffff;
	v28 =	vadd.f32 v9, v8;
	v29 =	vor.u32 v3, v20;
	v9 =	vadd.s32 s19, v0  }
0x8b: {  	v23 =	vor.u32 v4, v10;
	v13 =	vmul.bf16 v25, v13;
	v10 =	vmul.bf16 v16, v11;
	v16 =	vld.idx.msk [tilespmem:v24+s23+$0x0], $0xffff  }
0x8c: {  	s21 =	simm.s32 $0x7;
	v17 =	vimm.f32 $0.0e+00;
	v8 =	vor.u32 v4, v20;
	v11 =	vld.idx.msk [tilespmem:v12+s15+$0x0], $0xffff;
	v12 =	vand.u32 $0x1F, v9  }
0x8d: {  	v9 =	vld.idx.msk [tilespmem:v14+s25+$0x0], $0xffff;
	v25 =	vmul.bf16 v21, v13;
	v13 =	vadd.s32 s21, v0;
	v24 =	vor.u32 v4, v12  }
0x8e: {  	v26 =	vmul.bf16 v15, v22;
	v14 =	vld.idx.msk [tilespmem:v14+s23+$0x0], $0xffff;
	v18 =	vor.u32 v3, v12;
	v21 =	vand.u32 $0x1F, v13  }
0x8f: {  	v20 =	vshll.u32 v10, $0x10;
	v10 =	vand.u32 $0xFFFF0000, v10;
	v12 =	vld.idx.msk [tilespmem:v29+s23+$0x0], $0xffff;
	v22 =	vshll.u32 v25, $0x10  }
0x90: {  	v10 =	vadd.f32 v10, v17;
	v13 =	vld.idx.msk [tilespmem:v23+s15+$0x0], $0xffff;
	v23 =	vor.u32 v3, v21;
	v27 =	vmul.bf16 v19, v16  }
0x91: {  	[tilespmem:s18+$0x1D680] =	vst v28;
	s18 =	simm.s32 $0xF;
	v15 =	vld.idx.msk [tilespmem:v29+s25+$0x0], $0xffff;
	v16 =	vor.u32 v4, v21;
	v21 =	vimm.f32 $0.0e+00;
	v19 =	vimm.f32 $0.0e+00  }
.LBB2_6:
0x92: {  	s16 =	sadd.s32 $0xFFFFFFF9, s18;
	s19 =	sadd.s32 $0xFFFFFFFA, s18;
	s9 =	sadd.s32 $0xFFFFFFFC, s18;
	v25 =	vand.u32 $0xFFFF0000, v25;
	v17 =	vadd.f32 v20, v17;
	v7 =	vmul.bf16 v7, v26;
	v20 =	vld.idx.msk [tilespmem:v24+s15+$0x0], $0xffff  }
0x93: {  	p0 =	sne.s32 s18, $0x1F;
	s21 =	smov.u32 s18;
	s18 =	sadd.s32 $0x8, s18;
	v24 =	vadd.s32 s16, v0;
	v26 =	vadd.s32 s19, v0;
	v11 =	vmul.bf16 v11, v27;
	v27 =	vld.idx.msk [tilespmem:v18+s23+$0x0], $0xffff  }
0x94: {  	v21 =	vadd.f32 v25, v21;
	v24 =	vand.u32 $0x18, v24;
	v26 =	vand.u32 $0x1F, v26;
	v18 =	vld.idx.msk [tilespmem:v18+s25+$0x0], $0xffff  }
0x95: {  	v25 =	vor.u32 v5, v24;
	v28 =	vor.u32 v3, v26;
	v29 =	vand.u32 $0xFFFF0000, v11;
	v30 =	vld.idx.msk [tilespmem:v23+s23+$0x0], $0xffff  }
0x96: {  	v19 =	vadd.f32 v22, v19;
	s16 =	sadd.s32 $0xFFFFFFFB, s21;
	v31 =	vadd.s32 s9, v0;
	v26 =	vor.u32 v4, v26;
	v22 =	vld.idx.msk [tilespmem:v23+s25+$0x0], $0xffff  }
0x97: {  	v31 =	vand.u32 $0x1F, v31;
	v23 =	vadd.s32 s16, v0;
	v21 =	vadd.f32 v29, v21  }
0x98: {  	v29 =	vor.u32 v3, v31;
	v23 =	vand.u32 $0x1F, v23;
	v32 =	vld.idx.msk [tilespmem:v8+s15+$0x0], $0xffff;
	v8 =	vmul.bf16 v9, v14  }
0x99: {  	v14 =	vor.u32 v3, v23;
	v9 =	vor.u32 v4, v31;
	v31 =	vand.u32 $0xFFFF0000, v7;
	v16 =	vld.idx.msk [tilespmem:v16+s15+$0x0], $0xffff  }
0x9a: {  	s9 =	sadd.s32 $0xFFFFFFFE, s21;
	v24 =	vor.u32 v6, v24;
	v12 =	vmul.bf16 v15, v12;
	v23 =	vor.u32 v4, v23;
	v33 =	vld.idx.msk [tilespmem:v28+s23+$0x0], $0xffff  }
0x9b: {  	v7 =	vshll.u32 v7, $0x10;
	v18 =	vmul.bf16 v18, v27;
	v15 =	vld.idx.msk [tilespmem:v26+s15+$0x0], $0xffff;
	v26 =	vadd.s32 s9, v0  }
0x9c: {  	v17 =	vadd.f32 v7, v17;
	v13 =	vmul.bf16 v13, v8;
	v27 =	vld.idx.msk [tilespmem:v25+s25+$0x0], $0xffff;
	v26 =	vand.u32 $0x1F, v26  }
0x9d: {  	v10 =	vadd.f32 v31, v10;
	s9 =	sadd.s32 $0xFFFFFFFD, s21;
	v22 =	vmul.bf16 v22, v30;
	v28 =	vld.idx.msk [tilespmem:v28+s25+$0x0], $0xffff;
	v34 =	vor.u32 v3, v26  }
0x9e: {  	v8 =	vadd.s32 s9, v0;
	v30 =	vor.u32 v4, v26;
	v7 =	vld.idx.msk [tilespmem:v9+s15+$0x0], $0xffff;
	v9 =	vshll.u32 v13, $0x10  }
0x9f: {  	v31 =	vshll.u32 v11, $0x10;
	v18 =	vmul.bf16 v20, v18;
	v8 =	vand.u32 $0x1F, v8;
	v26 =	vld.idx.msk [tilespmem:v29+s25+$0x0], $0xffff  }
0xa0: {  	v12 =	vmul.bf16 v32, v12;
	v35 =	vor.u32 v3, v8;
	v8 =	vor.u32 v4, v8;
	v11 =	vld.idx.msk [tilespmem:v23+s15+$0x0], $0xffff  }
0xa1: {  	v13 =	vand.u32 $0xFFFF0000, v13;
	v16 =	vmul.bf16 v16, v22;
	v23 =	vand.u32 $0xFFFF0000, v18;
	v20 =	vld.idx.msk [tilespmem:v25+s23+$0x0], $0xffff  }
0xa2: {  	v22 =	vshll.u32 v12, $0x10;
	v12 =	vand.u32 $0xFFFF0000, v12;
	v17 =	vadd.f32 v9, v17;
	v32 =	vld.idx.msk [tilespmem:v14+s25+$0x0], $0xffff  }
0xa3: {  	s9 =	sadd.s32 $0xFFFFFFFF, s21;
	v25 =	vld.idx.msk [tilespmem:v24+s15+$0x0], $0xffff;
	v24 =	vmul.bf16 v28, v33;
	v28 =	vshll.u32 v18, $0x10;
	v18 =	vand.u32 $0xFFFF0000, v16  }
0xa4: {  	v19 =	vadd.f32 v31, v19;
	v12 =	vadd.f32 v12, v21;
	v33 =	vadd.s32 s9, v0;
	v9 =	vld.idx.msk [tilespmem:v34+s25+$0x0], $0xffff  }
0xa5: {  	v10 =	vadd.f32 v13, v10;
	v13 =	vshll.u32 v16, $0x10;
	v15 =	vmul.bf16 v15, v24;
	v29 =	vld.idx.msk [tilespmem:v29+s23+$0x0], $0xffff  }
0xa6: {  	v19 =	vadd.f32 v22, v19;
	v21 =	vadd.f32 v23, v12;
	v24 =	vand.u32 $0x1F, v33;
	v16 =	vld.idx.msk [tilespmem:v14+s23+$0x0], $0xffff  }
0xa7: {  	v10 =	vadd.f32 v18, v10;
	v22 =	vmul.bf16 v27, v20;
	v20 =	vshll.u32 v15, $0x10;
	v14 =	vld.idx.msk [tilespmem:v34+s23+$0x0], $0xffff  }
.Ltmp1:
0xa8: {  	v19 =	vadd.f32 v28, v19;
	v18 =	vor.u32 v3, v24;
	v24 =	vor.u32 v4, v24;
	v12 =	vld.idx.msk [tilespmem:v35+s23+$0x0], $0xffff;
	(pc) =	sbr.rel @p0 .LBB2_6-.Ltmp1, $4  }
0xa9: {  	v17 =	vadd.f32 v13, v17;
	v25 =	vmul.bf16 v25, v22;
	v22 =	vadd.s32 s21, v0  }
0xaa: {  	v13 =	vand.u32 $0xFFFF0000, v15;
	v28 =	vand.u32 $0x1F, v22  }
0xab: {  	v10 =	vadd.f32 v13, v10;
	v26 =	vmul.bf16 v26, v29;
	v23 =	vor.u32 v3, v28;
	v13 =	vld.idx.msk [tilespmem:v30+s15+$0x0], $0xffff  }
0xac: {  	v22 =	vshll.u32 v25, $0x10;
	v27 =	vmul.bf16 v32, v16;
	v16 =	vor.u32 v4, v28;
	v15 =	vld.idx.msk [tilespmem:v35+s25+$0x0], $0xffff  }
0xad: {  	_ =	sdelay $0x3  }
0xae: {  	v4 =	vld.idx.msk [tilespmem:v18+s23+$0x0], $0xffff  }
0xaf: {  	v5 =	vld.idx.msk [tilespmem:v18+s25+$0x0], $0xffff  }
0xb0: {  	v49 =	vld.idx.msk [tilespmem:v23+s23+$0x0], $0xffff  }
0xb1: {  	v6 =	vand.u32 $0xFFFF0000, v25;
	v50 =	vld.idx.msk [tilespmem:v23+s25+$0x0], $0xffff;
	v17 =	vadd.f32 v20, v17;
	v7 =	vmul.bf16 v7, v26  }
0xb2: {  	v8 =	vld.idx.msk [tilespmem:v8+s15+$0x0], $0xffff;
	v19 =	vadd.f32 v22, v19;
	v9 =	vmul.bf16 v9, v14;
	v11 =	vmul.bf16 v11, v27  }
0xb3: {  	v3 =	vld.idx.msk [tilespmem:v24+s15+$0x0], $0xffff;
	v6 =	vadd.f32 v6, v21;
	v53 =	vand.u32 $0xFFFF0000, v7;
	v7 =	vshll.u32 v7, $0x10  }
0xb4: {  	v52 =	vld.idx.msk [tilespmem:v16+s15+$0x0], $0xffff;
	v51 =	vand.u32 $0xFFFF0000, v11;
	v7 =	vadd.f32 v7, v17;
	v9 =	vmul.bf16 v13, v9  }
0xb5: {  	v10 =	vadd.f32 v53, v10;
	v11 =	vshll.u32 v11, $0x10;
	v54 =	vmul.bf16 v15, v12  }
0xb6: {  	v6 =	vadd.f32 v51, v6;
	v60 =	vadd.f32 v11, v19;
	v4 =	vmul.bf16 v5, v4  }
0xb7: {  	v55 =	vmul.bf16 v50, v49;
	v57 =	vand.u32 $0xFFFF0000, v9;
	v5 =	vmul.bf16 v8, v54  }
0xb8: {  	v56 =	vshll.u32 v9, $0x10;
	v8 =	vadd.f32 v57, v10;
	v3 =	vmul.bf16 v3, v4  }
0xb9: {  	v12 =	vmul.bf16 v52, v55;
	v4 =	vadd.f32 v56, v7;
	v59 =	vand.u32 $0xFFFF0000, v5  }
0xba: {  	v5 =	vshll.u32 v5, $0x10;
	v58 =	vand.u32 $0xFFFF0000, v3;
	v6 =	vadd.f32 v59, v6  }
0xbb: {  	v61 =	vand.u32 $0xFFFF0000, v12;
	v5 =	vadd.f32 v5, v60;
	v62 =	vshll.u32 v12, $0x10  }
0xbc: {  	v3 =	vshll.u32 v3, $0x10;
	v8 =	vadd.f32 v61, v8;
	v4 =	vadd.f32 v62, v4  }
0xbd: {  	v6 =	vadd.f32 v58, v6;
	v3 =	vadd.f32 v3, v5  }
0xbe: {  	p0 =	slt.u32 s17, $0x6  }
.Ltmp2:
0xbf: {  	v3 =	vadd.f32 v4, v3;
	v63 =	vadd.f32 v8, v6;
	(pc) =	sbr.rel @p0 .LBB2_3-.Ltmp2, $3  }
0xc0: {  	_ = 	snop  }
0xc1: {  	v3 =	vadd.f32 v63, v3;
	_ =	sdelay $0x1  }
0xc2: {  	s17 =	sadd.s32 $0x2, s17;
	[tilespmem:s8+$0x1D680] =	vst v3  }
0xc3: {  	p0 =	seq.s32 s10, $0x61  }
0xc4: {  	s8 =	sadd.s32 @!p0 s14, s11  }
0xc5: {  	s8 =	smul.u32 @!p0 $0x30, s8  }
0xc6: {  	s21 =	sadd.s32 s7, s14  }
0xc7: {  	s9 =	simm.s32 @!p0 $0x0;
	s16 =	simm.s32 @!p0 $0x19380;
	s8 =	sadd.s32 @!p0 s6, s8  }
0xc8: {  	[tilespmem:s16], [sflag:$0x1] =	stream.linear.gather @!p0 [hbm4b:s8+s9], $0x180, $0x38;
	[tilespmem:$0x1D780] =	vst v63  }
0xc9: {  	s8 =	sshll.u32 s21, $0x4  }
0xca: {  	s8 =	sadd.s32 s2, s8  }
0xcb: {  	[hbm4b:s8+s4] =	stream.linear.scatter [tilespmem:s0], [sflag:$0x5], $0x80, $0x38;
	[tilespmem:$0x1D780] =	vst v63  }
0xcc: {  	_ =	swait.ge [sflag:s1], $0x1000  }
0xcd: {  	[sflag:s1] =	ssyncset.done $0x0  }
0xce: {  	[sflag:s1] =	ssyncadd.s32 $0xFFFFF000  }
0xcf: {  	_ =	swait.ge [sflag:s1], $0x1000  }
0xd0: {  	[sflag:s1] =	ssyncset.done $0x0  }
0xd1: {  	s8 =	simm.s32 @!p0 $0x1;
	[sflag:s1] =	ssyncadd.s32 $0xFFFFF000  }
0xd2: {  	_ =	swait.ge @!p0 [sflag:s8], $0x180  }
0xd3: {  	p1 =	seq.s32 @!p0 s10, $0x0;
	[sflag:s8] =	ssyncset.done @!p0 $0x0  }
0xd4: {  	s9 =	simm.s32 @!p0 $0x19680;
	[sflag:s8] =	ssyncadd.s32 @!p0 $0xFFFFFE80;
	s8 =	simm.s32 @!p0 $0x80  }
0xd5: {  	[tilespmem:s9], [sflag:$0x3] =	stream.indirect.gather @!p0 [spmem:s3], $0x20, s16, s8, $0xb8;
	[tilespmem:$0x1D780] =	vst v63  }
0xd6: {  	p1 =	por p0, !p1;
	s9 =	simm.s32 @!p0 $0x19480;
	s16 =	simm.s32 @!p0 $0x1B680  }
0xd7: {  	[tilespmem:s16], [sflag:$0x3] =	stream.indirect.gather @!p0 [spmem:s3], $0x20, s9, s8, $0xb8;
	[tilespmem:$0x1D780] =	vst v63  }
0xd8: {  	_ =	swait.ge @p1 [sflag:s5], $0x80  }
0xd9: {  	[sflag:s5] =	ssyncset.done @p1 $0x0  }
0xda: {  	s17 =	simm.s32 $0x0;
	[sflag:s5] =	ssyncadd.s32 @p1 $0xFFFFFF80  }
.LBB2_9:
0xdb: {  	s18 =	sshll.u32 s17, $0x4  }
0xdc: {  	s8 =	simm.s32 $0x1;
	v3 =	vmov s18  }
0xdd: {  	v4 =	vld [tilespmem:s18+$0x19580];
	v5 =	vadd.s32 s8, v0;
	v3 =	vshll.u32 v3, $0x5  }
0xde: {  	s21 =	simm.s32 $0x2;
	v6 =	vand.u32 $0x1F, v5;
	v3 =	vor.u32 v1, v3  }
0xdf: {  	s16 =	simm.s32 $0x0;
	v12 =	vadd.s32 s21, v0;
	v8 =	vor.u32 v3, v6  }
0xe0: {  	v7 =	vadd.s32 s16, v0;
	v12 =	vand.u32 $0x1F, v12  }
0xe1: {  	v7 =	vand.u32 $0x18, v7;
	v5 =	vor.u32 v2, v3;
	v15 =	vor.u32 v3, v12  }
0xe2: {  	s19 =	simm.s32 $0x3;
	v9 =	vor.u32 v5, v7;
	v4 =	vshll.u32 v4, $0x5  }
0xe3: {  	v10 =	vadd.s32 s19, v0;
	v6 =	vor.u32 v4, v6  }
0xe4: {  	v10 =	vand.u32 $0x1F, v10;
	v13 =	vld.idx.msk [tilespmem:v8+s29+$0x0], $0xffff  }
0xe5: {  	v11 =	vor.u32 v4, v10;
	v17 =	vld.idx.msk [tilespmem:v8+s31+$0x0], $0xffff  }
0xe6: {  	v27 =	vld.idx.msk [tilespmem:v15+s31+$0x0], $0xffff  }
0xe7: {  	v10 =	vor.u32 v3, v10;
	v16 =	vld.idx.msk [tilespmem:v9+s31+$0x0], $0xffff  }
0xe8: {  	v12 =	vor.u32 v4, v12;
	v14 =	vld.idx.msk [tilespmem:v6+s15+$0x0], $0xffff;
	v6 =	vor.u32 v2, v4  }
0xe9: {  	s9 =	simm.s32 $0x5;
	v9 =	vld.idx.msk [tilespmem:v9+s29+$0x0], $0xffff;
	v7 =	vor.u32 v6, v7  }
0xea: {  	v8 =	vld.idx.msk [tilespmem:v11+s15+$0x0], $0xffff;
	v11 =	vadd.s32 s9, v0  }
0xeb: {  	s16 =	simm.s32 $0x4;
	v15 =	vld.idx.msk [tilespmem:v15+s29+$0x0], $0xffff;
	v11 =	vand.u32 $0x1F, v11  }
0xec: {  	v18 =	vadd.s32 s16, v0;
	v21 =	vld.idx.msk [tilespmem:v10+s31+$0x0], $0xffff;
	v23 =	vor.u32 v3, v11  }
0xed: {  	v18 =	vand.u32 $0x1F, v18;
	v28 =	vor.u32 v4, v11;
	v11 =	vld.idx.msk [tilespmem:v12+s15+$0x0], $0xffff  }
0xee: {  	s19 =	simm.s32 $0x6;
	v24 =	vld.idx.msk [tilespmem:v7+s15+$0x0], $0xffff;
	v7 =	vmul.bf16 v17, v13;
	v17 =	vor.u32 v3, v18  }
0xef: {  	v19 =	vimm.f32 $0.0e+00;
	v12 =	vmul.bf16 v16, v9;
	v13 =	vld.idx.msk [tilespmem:v10+s29+$0x0], $0xffff;
	v10 =	vadd.s32 s19, v0  }
0xf0: {  	s21 =	simm.s32 $0x7;
	v10 =	vand.u32 $0x1F, v10;
	v26 =	vmul.bf16 v14, v7;
	v7 =	vor.u32 v4, v18  }
0xf1: {  	v9 =	vld.idx.msk [tilespmem:v23+s31+$0x0], $0xffff;
	v18 =	vor.u32 v3, v10;
	v22 =	vor.u32 v4, v10;
	v10 =	vadd.s32 s21, v0  }
0xf2: {  	v27 =	vmul.bf16 v27, v15;
	v14 =	vld.idx.msk [tilespmem:v23+s29+$0x0], $0xffff;
	v29 =	vand.u32 $0x1F, v10;
	v20 =	vshll.u32 v26, $0x10  }
0xf3: {  	v16 =	vand.u32 $0xFFFF0000, v26;
	v15 =	vor.u32 v4, v29;
	v25 =	vmul.bf16 v24, v12;
	v12 =	vld.idx.msk [tilespmem:v17+s29+$0x0], $0xffff  }
0xf4: {  	v10 =	vadd.f32 v16, v19;
	v26 =	vmul.bf16 v21, v13;
	v13 =	vld.idx.msk [tilespmem:v28+s15+$0x0], $0xffff;
	v24 =	vor.u32 v3, v29  }
0xf5: {  	s8 =	simm.s32 $0xF;
	v16 =	vld.idx.msk [tilespmem:v17+s31+$0x0], $0xffff;
	v21 =	vimm.f32 $0.0e+00;
	v17 =	vimm.f32 $0.0e+00;
	v23 =	vshll.u32 v25, $0x10  }
.LBB2_10:
0xf6: {  	s9 =	sadd.s32 $0xFFFFFFF9, s8;
	s16 =	sadd.s32 $0xFFFFFFFA, s8;
	s19 =	sadd.s32 $0xFFFFFFFC, s8;
	v25 =	vand.u32 $0xFFFF0000, v25;
	v19 =	vadd.f32 v20, v19;
	v8 =	vmul.bf16 v8, v26;
	v20 =	vld.idx.msk [tilespmem:v22+s15+$0x0], $0xffff  }
0xf7: {  	p1 =	sne.s32 s8, $0x1F;
	s21 =	smov.u32 s8;
	s8 =	sadd.s32 $0x8, s8;
	v22 =	vadd.s32 s9, v0;
	v26 =	vadd.s32 s16, v0;
	v11 =	vmul.bf16 v11, v27;
	v27 =	vld.idx.msk [tilespmem:v18+s29+$0x0], $0xffff  }
0xf8: {  	v21 =	vadd.f32 v25, v21;
	v22 =	vand.u32 $0x18, v22;
	v26 =	vand.u32 $0x1F, v26;
	v18 =	vld.idx.msk [tilespmem:v18+s31+$0x0], $0xffff  }
0xf9: {  	v25 =	vor.u32 v5, v22;
	v28 =	vor.u32 v3, v26;
	v29 =	vand.u32 $0xFFFF0000, v11;
	v30 =	vld.idx.msk [tilespmem:v24+s29+$0x0], $0xffff  }
0xfa: {  	v17 =	vadd.f32 v23, v17;
	s9 =	sadd.s32 $0xFFFFFFFB, s21;
	v31 =	vadd.s32 s19, v0;
	v26 =	vor.u32 v4, v26;
	v23 =	vld.idx.msk [tilespmem:v24+s31+$0x0], $0xffff  }
0xfb: {  	v31 =	vand.u32 $0x1F, v31;
	v24 =	vadd.s32 s9, v0;
	v21 =	vadd.f32 v29, v21  }
0xfc: {  	v29 =	vor.u32 v3, v31;
	v24 =	vand.u32 $0x1F, v24;
	v32 =	vld.idx.msk [tilespmem:v7+s15+$0x0], $0xffff;
	v7 =	vmul.bf16 v9, v14  }
0xfd: {  	v14 =	vor.u32 v3, v24;
	v9 =	vor.u32 v4, v31;
	v31 =	vand.u32 $0xFFFF0000, v8;
	v15 =	vld.idx.msk [tilespmem:v15+s15+$0x0], $0xffff  }
0xfe: {  	v22 =	vor.u32 v6, v22;
	s9 =	sadd.s32 $0xFFFFFFFE, s21;
	v12 =	vmul.bf16 v16, v12;
	v24 =	vor.u32 v4, v24;
	v33 =	vld.idx.msk [tilespmem:v28+s29+$0x0], $0xffff  }
0xff: {  	v8 =	vshll.u32 v8, $0x10;
	v18 =	vmul.bf16 v18, v27;
	v16 =	vld.idx.msk [tilespmem:v26+s15+$0x0], $0xffff;
	v26 =	vadd.s32 s9, v0  }
0x100: {  	v19 =	vadd.f32 v8, v19;
	v13 =	vmul.bf16 v13, v7;
	v27 =	vld.idx.msk [tilespmem:v25+s31+$0x0], $0xffff;
	v26 =	vand.u32 $0x1F, v26  }
0x101: {  	v10 =	vadd.f32 v31, v10;
	s9 =	sadd.s32 $0xFFFFFFFD, s21;
	v23 =	vmul.bf16 v23, v30;
	v28 =	vld.idx.msk [tilespmem:v28+s31+$0x0], $0xffff;
	v34 =	vor.u32 v3, v26  }
0x102: {  	v7 =	vadd.s32 s9, v0;
	v30 =	vor.u32 v4, v26;
	v8 =	vld.idx.msk [tilespmem:v9+s15+$0x0], $0xffff;
	v9 =	vshll.u32 v13, $0x10  }
0x103: {  	v31 =	vshll.u32 v11, $0x10;
	v18 =	vmul.bf16 v20, v18;
	v7 =	vand.u32 $0x1F, v7;
	v26 =	vld.idx.msk [tilespmem:v29+s31+$0x0], $0xffff  }
0x104: {  	v12 =	vmul.bf16 v32, v12;
	v35 =	vor.u32 v3, v7;
	v7 =	vor.u32 v4, v7;
	v11 =	vld.idx.msk [tilespmem:v24+s15+$0x0], $0xffff  }
0x105: {  	v13 =	vand.u32 $0xFFFF0000, v13;
	v15 =	vmul.bf16 v15, v23;
	v24 =	vand.u32 $0xFFFF0000, v18;
	v20 =	vld.idx.msk [tilespmem:v25+s29+$0x0], $0xffff  }
0x106: {  	v23 =	vshll.u32 v12, $0x10;
	v12 =	vand.u32 $0xFFFF0000, v12;
	v19 =	vadd.f32 v9, v19;
	v32 =	vld.idx.msk [tilespmem:v14+s31+$0x0], $0xffff  }
0x107: {  	s9 =	sadd.s32 $0xFFFFFFFF, s21;
	v25 =	vld.idx.msk [tilespmem:v22+s15+$0x0], $0xffff;
	v22 =	vmul.bf16 v28, v33;
	v28 =	vshll.u32 v18, $0x10;
	v18 =	vand.u32 $0xFFFF0000, v15  }
0x108: {  	v17 =	vadd.f32 v31, v17;
	v12 =	vadd.f32 v12, v21;
	v33 =	vadd.s32 s9, v0;
	v9 =	vld.idx.msk [tilespmem:v34+s31+$0x0], $0xffff  }
0x109: {  	v10 =	vadd.f32 v13, v10;
	v13 =	vshll.u32 v15, $0x10;
	v16 =	vmul.bf16 v16, v22;
	v29 =	vld.idx.msk [tilespmem:v29+s29+$0x0], $0xffff  }
0x10a: {  	v17 =	vadd.f32 v23, v17;
	v21 =	vadd.f32 v24, v12;
	v22 =	vand.u32 $0x1F, v33;
	v15 =	vld.idx.msk [tilespmem:v14+s29+$0x0], $0xffff  }
0x10b: {  	v10 =	vadd.f32 v18, v10;
	v23 =	vmul.bf16 v27, v20;
	v20 =	vshll.u32 v16, $0x10;
	v14 =	vld.idx.msk [tilespmem:v34+s29+$0x0], $0xffff  }
.Ltmp3:
0x10c: {  	v17 =	vadd.f32 v28, v17;
	v18 =	vor.u32 v3, v22;
	v22 =	vor.u32 v4, v22;
	v12 =	vld.idx.msk [tilespmem:v35+s29+$0x0], $0xffff;
	(pc) =	sbr.rel @p1 .LBB2_10-.Ltmp3, $4  }
0x10d: {  	v19 =	vadd.f32 v13, v19;
	v25 =	vmul.bf16 v25, v23;
	v23 =	vadd.s32 s21, v0  }
0x10e: {  	v13 =	vand.u32 $0xFFFF0000, v16;
	v28 =	vand.u32 $0x1F, v23  }
0x10f: {  	v10 =	vadd.f32 v13, v10;
	v26 =	vmul.bf16 v26, v29;
	v24 =	vor.u32 v3, v28;
	v13 =	vld.idx.msk [tilespmem:v30+s15+$0x0], $0xffff  }
0x110: {  	v23 =	vshll.u32 v25, $0x10;
	v27 =	vmul.bf16 v32, v15;
	v15 =	vor.u32 v4, v28;
	v16 =	vld.idx.msk [tilespmem:v35+s31+$0x0], $0xffff  }
0x111: {  	_ =	sdelay $0x3  }
0x112: {  	v3 =	vld.idx.msk [tilespmem:v18+s29+$0x0], $0xffff  }
0x113: {  	v4 =	vld.idx.msk [tilespmem:v18+s31+$0x0], $0xffff;
	v5 =	vand.u32 $0xFFFF0000, v25;
	v6 =	vmul.bf16 v11, v27  }
0x114: {  	v18 =	vadd.f32 v20, v19;
	v19 =	vld.idx.msk [tilespmem:v24+s31+$0x0], $0xffff;
	v8 =	vmul.bf16 v8, v26;
	s19 =	simm.s32 $0x3;
	v5 =	vadd.f32 v5, v21  }
0x115: {  	v20 =	vld.idx.msk [tilespmem:v22+s15+$0x0], $0xffff;
	v9 =	vmul.bf16 v9, v14;
	v22 =	vadd.s32 s19, v0;
	v21 =	vand.u32 $0xFFFF0000, v6  }
0x116: {  	v14 =	vadd.f32 v23, v17;
	v22 =	vand.u32 $0x1F, v22;
	v17 =	vadd.f32 v21, v5;
	v5 =	vld.idx.msk [tilespmem:v7+s15+$0x0], $0xffff  }
0x117: {  	v11 =	vld.idx.msk [tilespmem:v24+s29+$0x0], $0xffff;
	v9 =	vmul.bf16 v13, v9;
	v6 =	vshll.u32 v6, $0x10;
	v7 =	vand.u32 $0xFFFF0000, v8  }
0x118: {  	s21 =	simm.s32 $0x2;
	v8 =	vshll.u32 v8, $0x10;
	v12 =	vmul.bf16 v16, v12;
	v3 =	vmul.bf16 v4, v3;
	v4 =	vld [tilespmem:s18+$0x19590]  }
0x119: {  	s8 =	sor.u32 $0x10, s18;
	v6 =	vadd.f32 v6, v14;
	v14 =	vadd.s32 s21, v0;
	v8 =	vadd.f32 v8, v18  }
0x11a: {  	s9 =	simm.s32 $0x1;
	v7 =	vadd.f32 v7, v10;
	v13 =	vmul.bf16 v20, v3;
	v3 =	vmov s8  }
0x11b: {  	s16 =	simm.s32 $0x0;
	v3 =	vshll.u32 v3, $0x5;
	v12 =	vmul.bf16 v5, v12;
	v5 =	vadd.s32 s9, v0  }
0x11c: {  	v15 =	vld.idx.msk [tilespmem:v15+s15+$0x0], $0xffff;
	v18 =	vadd.s32 s16, v0;
	v3 =	vor.u32 v1, v3;
	v16 =	vand.u32 $0x1F, v5  }
0x11d: {  	v10 =	vmul.bf16 v19, v11;
	v4 =	vshll.u32 v4, $0x5;
	v19 =	vor.u32 v3, v16  }
0x11e: {  	v18 =	vand.u32 $0x18, v18;
	v5 =	vor.u32 v2, v3;
	v16 =	vor.u32 v4, v16  }
0x11f: {  	v11 =	vshll.u32 v9, $0x10;
	v9 =	vand.u32 $0xFFFF0000, v9;
	v21 =	vor.u32 v5, v18  }
0x120: {  	v14 =	vand.u32 $0x1F, v14;
	v8 =	vadd.f32 v11, v8;
	v9 =	vadd.f32 v9, v7  }
0x121: {  	v10 =	vmul.bf16 v15, v10;
	v20 =	vand.u32 $0xFFFF0000, v13;
	v11 =	vor.u32 v4, v22  }
0x122: {  	v13 =	vshll.u32 v13, $0x10;
	v15 =	vshll.u32 v12, $0x10;
	v12 =	vand.u32 $0xFFFF0000, v12;
	v23 =	vld.idx.msk [tilespmem:v19+s29+$0x0], $0xffff  }
0x123: {  	v22 =	vor.u32 v3, v22;
	v15 =	vadd.f32 v15, v6;
	v6 =	vor.u32 v2, v4;
	v16 =	vld.idx.msk [tilespmem:v16+s15+$0x0], $0xffff  }
0x124: {  	v7 =	vshll.u32 v10, $0x10;
	v12 =	vadd.f32 v12, v17;
	v17 =	vor.u32 v6, v18;
	v25 =	vld.idx.msk [tilespmem:v21+s31+$0x0], $0xffff  }
0x125: {  	v10 =	vand.u32 $0xFFFF0000, v10;
	v8 =	vadd.f32 v7, v8;
	v13 =	vadd.f32 v13, v15;
	v18 =	vld.idx.msk [tilespmem:v19+s31+$0x0], $0xffff  }
0x126: {  	s9 =	simm.s32 $0x5;
	v24 =	vor.u32 v3, v14;
	v9 =	vadd.f32 v10, v9;
	v7 =	vld.idx.msk [tilespmem:v11+s15+$0x0], $0xffff  }
0x127: {  	v10 =	vadd.s32 s9, v0;
	v11 =	vadd.f32 v20, v12;
	v8 =	vadd.f32 v8, v13;
	v13 =	vld.idx.msk [tilespmem:v21+s29+$0x0], $0xffff  }
0x128: {  	s16 =	simm.s32 $0x4;
	v10 =	vand.u32 $0x1F, v10;
	v15 =	vld.idx.msk [tilespmem:v22+s31+$0x0], $0xffff;
	v12 =	vor.u32 v4, v14  }
0x129: {  	v14 =	vor.u32 v3, v10;
	v9 =	vadd.f32 v9, v11;
	v11 =	vadd.s32 s16, v0;
	v21 =	vld.idx.msk [tilespmem:v17+s15+$0x0], $0xffff  }
0x12a: {  	s19 =	simm.s32 $0x6;
	v22 =	vld.idx.msk [tilespmem:v22+s29+$0x0], $0xffff;
	v20 =	vand.u32 $0x1F, v11;
	v11 =	vmul.bf16 v18, v23  }
0x12b: {  	v19 =	vld.idx.msk [tilespmem:v24+s31+$0x0], $0xffff;
	v28 =	vadd.f32 v9, v8;
	v29 =	vor.u32 v3, v20;
	v9 =	vadd.s32 s19, v0  }
0x12c: {  	v23 =	vor.u32 v4, v10;
	v13 =	vmul.bf16 v25, v13;
	v10 =	vmul.bf16 v16, v11;
	v16 =	vld.idx.msk [tilespmem:v24+s29+$0x0], $0xffff  }
0x12d: {  	s21 =	simm.s32 $0x7;
	v17 =	vimm.f32 $0.0e+00;
	v8 =	vor.u32 v4, v20;
	v11 =	vld.idx.msk [tilespmem:v12+s15+$0x0], $0xffff;
	v12 =	vand.u32 $0x1F, v9  }
0x12e: {  	v9 =	vld.idx.msk [tilespmem:v14+s31+$0x0], $0xffff;
	v25 =	vmul.bf16 v21, v13;
	v13 =	vadd.s32 s21, v0;
	v24 =	vor.u32 v4, v12  }
0x12f: {  	v26 =	vmul.bf16 v15, v22;
	v14 =	vld.idx.msk [tilespmem:v14+s29+$0x0], $0xffff;
	v18 =	vor.u32 v3, v12;
	v21 =	vand.u32 $0x1F, v13  }
0x130: {  	v20 =	vshll.u32 v10, $0x10;
	v10 =	vand.u32 $0xFFFF0000, v10;
	v12 =	vld.idx.msk [tilespmem:v29+s29+$0x0], $0xffff;
	v22 =	vshll.u32 v25, $0x10  }
0x131: {  	v10 =	vadd.f32 v10, v17;
	v13 =	vld.idx.msk [tilespmem:v23+s15+$0x0], $0xffff;
	v23 =	vor.u32 v3, v21;
	v27 =	vmul.bf16 v19, v16  }
0x132: {  	s8 =	simm.s32 $0xF;
	[tilespmem:s18+$0x1D700] =	vst v28;
	v15 =	vld.idx.msk [tilespmem:v29+s31+$0x0], $0xffff;
	v16 =	vor.u32 v4, v21;
	v21 =	vimm.f32 $0.0e+00;
	v19 =	vimm.f32 $0.0e+00  }
.LBB2_12:
0x133: {  	s9 =	sadd.s32 $0xFFFFFFF9, s8;
	s16 =	sadd.s32 $0xFFFFFFFA, s8;
	s19 =	sadd.s32 $0xFFFFFFFC, s8;
	v25 =	vand.u32 $0xFFFF0000, v25;
	v17 =	vadd.f32 v20, v17;
	v7 =	vmul.bf16 v7, v26;
	v20 =	vld.idx.msk [tilespmem:v24+s15+$0x0], $0xffff  }
0x134: {  	p1 =	sne.s32 s8, $0x1F;
	s21 =	smov.u32 s8;
	s8 =	sadd.s32 $0x8, s8;
	v24 =	vadd.s32 s9, v0;
	v26 =	vadd.s32 s16, v0;
	v11 =	vmul.bf16 v11, v27;
	v27 =	vld.idx.msk [tilespmem:v18+s29+$0x0], $0xffff  }
0x135: {  	v21 =	vadd.f32 v25, v21;
	v24 =	vand.u32 $0x18, v24;
	v26 =	vand.u32 $0x1F, v26;
	v18 =	vld.idx.msk [tilespmem:v18+s31+$0x0], $0xffff  }
0x136: {  	v25 =	vor.u32 v5, v24;
	v28 =	vor.u32 v3, v26;
	v29 =	vand.u32 $0xFFFF0000, v11;
	v30 =	vld.idx.msk [tilespmem:v23+s29+$0x0], $0xffff  }
0x137: {  	v19 =	vadd.f32 v22, v19;
	s9 =	sadd.s32 $0xFFFFFFFB, s21;
	v31 =	vadd.s32 s19, v0;
	v26 =	vor.u32 v4, v26;
	v22 =	vld.idx.msk [tilespmem:v23+s31+$0x0], $0xffff  }
0x138: {  	v31 =	vand.u32 $0x1F, v31;
	v23 =	vadd.s32 s9, v0;
	v21 =	vadd.f32 v29, v21  }
0x139: {  	v29 =	vor.u32 v3, v31;
	v23 =	vand.u32 $0x1F, v23;
	v32 =	vld.idx.msk [tilespmem:v8+s15+$0x0], $0xffff;
	v8 =	vmul.bf16 v9, v14  }
0x13a: {  	v14 =	vor.u32 v3, v23;
	v9 =	vor.u32 v4, v31;
	v31 =	vand.u32 $0xFFFF0000, v7;
	v16 =	vld.idx.msk [tilespmem:v16+s15+$0x0], $0xffff  }
0x13b: {  	v24 =	vor.u32 v6, v24;
	s9 =	sadd.s32 $0xFFFFFFFE, s21;
	v12 =	vmul.bf16 v15, v12;
	v23 =	vor.u32 v4, v23;
	v33 =	vld.idx.msk [tilespmem:v28+s29+$0x0], $0xffff  }
0x13c: {  	v7 =	vshll.u32 v7, $0x10;
	v18 =	vmul.bf16 v18, v27;
	v15 =	vld.idx.msk [tilespmem:v26+s15+$0x0], $0xffff;
	v26 =	vadd.s32 s9, v0  }
0x13d: {  	v17 =	vadd.f32 v7, v17;
	v13 =	vmul.bf16 v13, v8;
	v27 =	vld.idx.msk [tilespmem:v25+s31+$0x0], $0xffff;
	v26 =	vand.u32 $0x1F, v26  }
0x13e: {  	v10 =	vadd.f32 v31, v10;
	s9 =	sadd.s32 $0xFFFFFFFD, s21;
	v22 =	vmul.bf16 v22, v30;
	v28 =	vld.idx.msk [tilespmem:v28+s31+$0x0], $0xffff;
	v34 =	vor.u32 v3, v26  }
0x13f: {  	v8 =	vadd.s32 s9, v0;
	v30 =	vor.u32 v4, v26;
	v7 =	vld.idx.msk [tilespmem:v9+s15+$0x0], $0xffff;
	v9 =	vshll.u32 v13, $0x10  }
0x140: {  	v31 =	vshll.u32 v11, $0x10;
	v18 =	vmul.bf16 v20, v18;
	v8 =	vand.u32 $0x1F, v8;
	v26 =	vld.idx.msk [tilespmem:v29+s31+$0x0], $0xffff  }
0x141: {  	v12 =	vmul.bf16 v32, v12;
	v35 =	vor.u32 v3, v8;
	v8 =	vor.u32 v4, v8;
	v11 =	vld.idx.msk [tilespmem:v23+s15+$0x0], $0xffff  }
0x142: {  	v13 =	vand.u32 $0xFFFF0000, v13;
	v16 =	vmul.bf16 v16, v22;
	v23 =	vand.u32 $0xFFFF0000, v18;
	v20 =	vld.idx.msk [tilespmem:v25+s29+$0x0], $0xffff  }
0x143: {  	v22 =	vshll.u32 v12, $0x10;
	v12 =	vand.u32 $0xFFFF0000, v12;
	v17 =	vadd.f32 v9, v17;
	v32 =	vld.idx.msk [tilespmem:v14+s31+$0x0], $0xffff  }
0x144: {  	s9 =	sadd.s32 $0xFFFFFFFF, s21;
	v25 =	vld.idx.msk [tilespmem:v24+s15+$0x0], $0xffff;
	v24 =	vmul.bf16 v28, v33;
	v28 =	vshll.u32 v18, $0x10;
	v18 =	vand.u32 $0xFFFF0000, v16  }
0x145: {  	v19 =	vadd.f32 v31, v19;
	v12 =	vadd.f32 v12, v21;
	v33 =	vadd.s32 s9, v0;
	v9 =	vld.idx.msk [tilespmem:v34+s31+$0x0], $0xffff  }
0x146: {  	v10 =	vadd.f32 v13, v10;
	v13 =	vshll.u32 v16, $0x10;
	v15 =	vmul.bf16 v15, v24;
	v29 =	vld.idx.msk [tilespmem:v29+s29+$0x0], $0xffff  }
0x147: {  	v19 =	vadd.f32 v22, v19;
	v21 =	vadd.f32 v23, v12;
	v24 =	vand.u32 $0x1F, v33;
	v16 =	vld.idx.msk [tilespmem:v14+s29+$0x0], $0xffff  }
0x148: {  	v10 =	vadd.f32 v18, v10;
	v22 =	vmul.bf16 v27, v20;
	v20 =	vshll.u32 v15, $0x10;
	v14 =	vld.idx.msk [tilespmem:v34+s29+$0x0], $0xffff  }
.Ltmp4:
0x149: {  	v19 =	vadd.f32 v28, v19;
	v18 =	vor.u32 v3, v24;
	v24 =	vor.u32 v4, v24;
	v12 =	vld.idx.msk [tilespmem:v35+s29+$0x0], $0xffff;
	(pc) =	sbr.rel @p1 .LBB2_12-.Ltmp4, $4  }
0x14a: {  	v17 =	vadd.f32 v13, v17;
	v25 =	vmul.bf16 v25, v22;
	v22 =	vadd.s32 s21, v0  }
0x14b: {  	v13 =	vand.u32 $0xFFFF0000, v15;
	v28 =	vand.u32 $0x1F, v22  }
0x14c: {  	v10 =	vadd.f32 v13, v10;
	v26 =	vmul.bf16 v26, v29;
	v23 =	vor.u32 v3, v28;
	v13 =	vld.idx.msk [tilespmem:v30+s15+$0x0], $0xffff  }
0x14d: {  	v22 =	vshll.u32 v25, $0x10;
	v27 =	vmul.bf16 v32, v16;
	v16 =	vor.u32 v4, v28;
	v15 =	vld.idx.msk [tilespmem:v35+s31+$0x0], $0xffff  }
0x14e: {  	_ =	sdelay $0x3  }
0x14f: {  	v4 =	vld.idx.msk [tilespmem:v18+s29+$0x0], $0xffff  }
0x150: {  	v5 =	vld.idx.msk [tilespmem:v18+s31+$0x0], $0xffff  }
0x151: {  	v49 =	vld.idx.msk [tilespmem:v23+s29+$0x0], $0xffff  }
0x152: {  	v6 =	vand.u32 $0xFFFF0000, v25;
	v50 =	vld.idx.msk [tilespmem:v23+s31+$0x0], $0xffff;
	v17 =	vadd.f32 v20, v17;
	v7 =	vmul.bf16 v7, v26  }
0x153: {  	v8 =	vld.idx.msk [tilespmem:v8+s15+$0x0], $0xffff;
	v19 =	vadd.f32 v22, v19;
	v9 =	vmul.bf16 v9, v14;
	v11 =	vmul.bf16 v11, v27  }
0x154: {  	v3 =	vld.idx.msk [tilespmem:v24+s15+$0x0], $0xffff;
	v6 =	vadd.f32 v6, v21;
	v53 =	vand.u32 $0xFFFF0000, v7;
	v7 =	vshll.u32 v7, $0x10  }
0x155: {  	v52 =	vld.idx.msk [tilespmem:v16+s15+$0x0], $0xffff;
	v51 =	vand.u32 $0xFFFF0000, v11;
	v7 =	vadd.f32 v7, v17;
	v9 =	vmul.bf16 v13, v9  }
0x156: {  	v10 =	vadd.f32 v53, v10;
	v11 =	vshll.u32 v11, $0x10;
	v54 =	vmul.bf16 v15, v12  }
0x157: {  	v6 =	vadd.f32 v51, v6;
	v60 =	vadd.f32 v11, v19;
	v4 =	vmul.bf16 v5, v4  }
0x158: {  	v55 =	vmul.bf16 v50, v49;
	v57 =	vand.u32 $0xFFFF0000, v9;
	v5 =	vmul.bf16 v8, v54  }
0x159: {  	v56 =	vshll.u32 v9, $0x10;
	v8 =	vadd.f32 v57, v10;
	v3 =	vmul.bf16 v3, v4  }
0x15a: {  	v12 =	vmul.bf16 v52, v55;
	v4 =	vadd.f32 v56, v7;
	v59 =	vand.u32 $0xFFFF0000, v5  }
0x15b: {  	v5 =	vshll.u32 v5, $0x10;
	v58 =	vand.u32 $0xFFFF0000, v3;
	v6 =	vadd.f32 v59, v6  }
0x15c: {  	v61 =	vand.u32 $0xFFFF0000, v12;
	v5 =	vadd.f32 v5, v60;
	v62 =	vshll.u32 v12, $0x10  }
0x15d: {  	v3 =	vshll.u32 v3, $0x10;
	v8 =	vadd.f32 v61, v8;
	v4 =	vadd.f32 v62, v4  }
0x15e: {  	v6 =	vadd.f32 v58, v6;
	v3 =	vadd.f32 v3, v5  }
0x15f: {  	p1 =	slt.u32 s17, $0x6  }
.Ltmp5:
0x160: {  	v3 =	vadd.f32 v4, v3;
	v63 =	vadd.f32 v8, v6;
	(pc) =	sbr.rel @p1 .LBB2_9-.Ltmp5, $3  }
0x161: {  	_ = 	snop  }
0x162: {  	v3 =	vadd.f32 v63, v3;
	_ =	sdelay $0x1  }
0x163: {  	s17 =	sadd.s32 $0x2, s17;
	[tilespmem:s18+$0x1D710] =	vst v3  }
0x164: {  	s8 =	sadd.s32 @!p0 s14, s12  }
0x165: {  	s8 =	smul.u32 @!p0 $0x30, s8  }
0x166: {  	s9 =	simm.s32 @!p0 $0x0  }
0x167: {  	s16 =	simm.s32 @!p0 $0x19500;
	s10 =	sadd.s32 $0x1, s10;
	s8 =	sadd.s32 @!p0 s6, s8  }
0x168: {  	[tilespmem:s16], [sflag:$0x2] =	stream.linear.gather @!p0 [hbm4b:s8+s9], $0x180, $0x38;
	[tilespmem:$0x1D780] =	vst v63  }
0x169: {  	p0 =	sne.s32 s10, $0x62  }
.Ltmp6:
0x16a: {  	s21 =	sadd.s32 s14, s13;
	(pc) =	sbr.rel @p0 .LBB2_2-.Ltmp6, $4  }
0x16b: {  	s8 =	sshll.u32 s21, $0x4  }
0x16c: {  	s8 =	sand.u32 $0x1FFFFFF0, s8  }
0x16d: {  	s8 =	sadd.s32 s2, s8  }
0x16e: {  	[hbm4b:s8+s4] =	stream.linear.scatter [tilespmem:s24], [sflag:$0x6], $0x80, $0x38;
	[tilespmem:$0x1D780] =	vst v63  }
0x16f: {  	s8 =	simm.s32 $0x5  }
0x170: {  	_ =	swait.ge [sflag:s8], $0x80  }
0x171: {  	[sflag:s8] =	ssyncset.done $0x0  }
0x172: {  	[sflag:s8] =	ssyncadd.s32 $0xFFFFFF80  }
0x173: {  	_ =	swait.ge [sflag:s5], $0x80  }
0x174: {  	s9 =	rddreg [dreg:$0xb]  }
0x175: {  	s21 =	rddreg [dreg:$0x8];
	s9 =	sadd.s32 $0x1, s9  }
0x176: {  	p0 =	sne.s32 s9, s21  }
.Ltmp7:
0x177: {  	_ = 	snop;
	(pc) =	sbr.rel @p0 .LBB2_1-.Ltmp7, $3  }
0x178: {  	_ =	sdelay $0x1  }
0x179: {  	[sflag:s5] =	ssyncset.done $0x0  }
0x17a: {  	[sflag:s5] =	ssyncadd.s32 $0xFFFFFF80  }
0x17b: {  	_ =	sfence.sel $0x180000  }
0x17c: {  	[bflag:$0x0] =	sbarrier.arrive $0xFFFF  }
0x17d: {  	_ =	strace $0x90000047  }
0x17e: {  	s0 =	stileid.u32;
	[bflag:$0x2] =	sbarrier.arrive $0xFFFF  }
0x17f: {  	p0 =	sne.s32 s0, $0x0;
	s0 =	rddreg [dreg:$0x3]  }
0x180: {  	s0 =	sadd.s32 @!p0 $0x100000, s0  }
0x181: {  	[sflag:s0] =	ssyncadd.tile.s32 @!p0 $0x1;
	_ =	shalt  }
.Lfunc_end2:
_tile_overlayer_lowered:
.L_overlay_start_2:
0x182: {  	(tag) =	ssettag $0x2  }
0x183: {  	s0 =	rddreg [dreg:$0x0];
	s2 =	stileid.u32  }
0x184: {  	s1 =	rddreg [dreg:$0x1];
	p0 =	sne.s32 s2, $0x0  }
0x185: {  	s3 =	rddreg [dreg:$0x2];
	[bflag:$0x3] =	sbarrier.arrive $0xFFFF;
	s2 =	simm.s32 @!p0 $0x1C07  }
0x186: {  	[timem:s3], [sflag:s2] =	dma.local @!p0 [hbm:s0], s1  }
0x187: {  	s0 =	simm.s32 @!p0 $0x7  }
0x188: {  	_ =	swait.ge @!p0 [sflag:s0], s1  }
0x189: {  	s1 =	ssub.s32 @!p0 $0x0, s1;
	[sflag:s0] =	ssyncset.done @!p0 $0x0  }
0x18a: {  	[sflag:s0] =	ssyncadd.s32 @!p0 s1  }
0x18b: {  	[bflag:$0x3] =	sbarrier.arrive $0xFFFF  }
0x18c: {  	_ =	shalt  }

</sc_bundles>
